<compile_context>
chip_gen: v7x
topology: tpu7x:2x2x1
jax: 0.10.2.dev20260603
libtpu: 0.0.44.dev20260713+nightly
codegen_flags: <defaults>
</compile_context>

<pallas_src>
import functools

import jax
import jax.numpy as jnp
from jax.experimental import pallas as pl
from jax.experimental.pallas import tpu as pltpu
from jax.experimental.pallas import tpu_sc as plsc

_B, _S, _IN, _D, _M, _Q, _HOLO, _K, _SC = 1, 2048, 1024, 64, 16384, 8, 256, 32, 4
_TW = 768
_QB1 = 256
_QB2 = 128
_QB3 = 64

_PREC = jax.lax.Precision.HIGHEST


def _dot(a, b_t):
    return jax.lax.dot_general(a, b_t, (((1,), (1,)), ((), ())),
                               precision=_PREC, preferred_element_type=jnp.float32)


def _gelu(x):
    return 0.5 * x * (1.0 + jax.lax.erf(x * 0.7071067811865476))


def _ln_rows(x, g, b):
    m = jnp.mean(x, axis=-1, keepdims=True)
    v = jnp.mean((x - m) ** 2, axis=-1, keepdims=True)
    return (x - m) * jax.lax.rsqrt(v + 1e-05) * g + b


def _k0_body(phase_ref, keys_ref, coh_ref, k2_ref):
    ph = phase_ref[...]
    ks = keys_ref[...]
    coh_ref[...] = jnp.mean(jnp.cos(ph), axis=-1, keepdims=True)
    k2_ref[...] = jnp.sum(ks * ks, axis=-1, keepdims=True)


def _run_k0(phase, keys):
    mb = 2048
    grid = (_M // mb,)
    coh, k2 = pl.pallas_call(
        _k0_body,
        grid=grid,
        in_specs=[pl.BlockSpec((mb, _Q), lambda i: (i, 0)),
                  pl.BlockSpec((mb, _D), lambda i: (i, 0))],
        out_specs=[pl.BlockSpec((mb, 1), lambda i: (i, 0)),
                   pl.BlockSpec((mb, 1), lambda i: (i, 0))],
        out_shape=[jax.ShapeDtypeStruct((_M, 1), jnp.float32),
                   jax.ShapeDtypeStruct((_M, 1), jnp.float32)],
    )(phase, keys)
    return coh, k2


def _k1_body(x_ref, w_in_ref, b_in_ref, g_in_ref, be_in_ref, ricci_ref,
             w_kp_ref, bkpe_ref, q_ref, cre_ref, cim_ref):
    x = x_ref[...]
    proj = _dot(x, w_in_ref[...]) + b_in_ref[...]
    proj = _gelu(_ln_rows(proj, g_in_ref[...], be_in_ref[...]))
    i3 = jax.lax.broadcasted_iota(jnp.int32, (3 * _D, _D), 0)
    d3 = jax.lax.broadcasted_iota(jnp.int32, (3 * _D, _D), 1)
    sel = jnp.where(i3 // 3 == d3, jnp.float32(1.0 / 3.0), jnp.float32(0.0))
    qbar = jax.lax.dot_general(proj, sel, (((1,), (0,)), ((), ())),
                               precision=_PREC, preferred_element_type=jnp.float32)
    q_ref[...] = jax.lax.dot_general(qbar, ricci_ref[...], (((1,), (0,)), ((), ())),
                                     precision=_PREC,
                                     preferred_element_type=jnp.float32)
    kp = _dot(x, w_kp_ref[...]) + bkpe_ref[...]
    cre_ref[...] = jnp.cos(kp)
    cim_ref[...] = jnp.sin(kp)


def _run_k1(x2d, W_in, b_in, g_in, be_in, ricci, W_kp, bkpe):
    grid = (_S // _QB1,)
    q, cre, cim = pl.pallas_call(
        _k1_body,
        grid=grid,
        in_specs=[pl.BlockSpec((_QB1, _IN), lambda i: (i, 0)),
                  pl.BlockSpec((3 * _D, _IN), lambda i: (0, 0)),
                  pl.BlockSpec((1, 3 * _D), lambda i: (0, 0)),
                  pl.BlockSpec((1, 3 * _D), lambda i: (0, 0)),
                  pl.BlockSpec((1, 3 * _D), lambda i: (0, 0)),
                  pl.BlockSpec((_D, _D), lambda i: (0, 0)),
                  pl.BlockSpec((_HOLO, _IN), lambda i: (0, 0)),
                  pl.BlockSpec((1, _HOLO), lambda i: (0, 0))],
        out_specs=[pl.BlockSpec((_QB1, _D), lambda i: (i, 0)),
                   pl.BlockSpec((_QB1, _HOLO), lambda i: (i, 0)),
                   pl.BlockSpec((_QB1, _HOLO), lambda i: (i, 0))],
        out_shape=[jax.ShapeDtypeStruct((_S, _D), jnp.float32),
                   jax.ShapeDtypeStruct((_S, _HOLO), jnp.float32),
                   jax.ShapeDtypeStruct((_S, _HOLO), jnp.float32)],
    )(x2d, W_in, b_in, g_in, be_in, ricci, W_kp, bkpe)
    return q, cre, cim


def _k2_body(q_ref, keys_ref, k2_ref, idx_ref, d_ref):
    q = q_ref[...]
    scores = k2_ref[...] - 2.0 * _dot(q, keys_ref[...])
    q2 = jnp.sum(q * q, axis=-1, keepdims=True)
    lane = jax.lax.broadcasted_iota(jnp.int32, (_QB2, _M), 1)
    klane = jax.lax.broadcasted_iota(jnp.int32, (_QB2, _K), 1)
    big = jnp.float32(jnp.finfo(jnp.float32).max)

    def step(k, carry):
        sc, idx_acc, d_acc = carry
        m = jnp.min(sc, axis=-1, keepdims=True)
        amin = jnp.min(jnp.where(sc == m, lane, _M), axis=-1, keepdims=True)
        idx_acc = jnp.where(klane == k, amin, idx_acc)
        d_acc = jnp.where(klane == k, m + q2, d_acc)
        return jnp.where(lane == amin, big, sc), idx_acc, d_acc

    _, idx_acc, d_acc = jax.lax.fori_loop(
        0, 16, step,
        (scores,
         (jax.lax.broadcasted_iota(jnp.int32, (_QB2, _K), 0) * 128
          + klane * 4) % _M,
         jnp.zeros((_QB2, _K), jnp.float32)),
        unroll=False)
    idx_ref[...] = idx_acc
    d_ref[...] = d_acc


def _run_k2(q, keys, k2_row):
    grid = (_S // _QB2,)
    idx, d = pl.pallas_call(
        _k2_body,
        grid=grid,
        in_specs=[pl.BlockSpec((_QB2, _D), lambda i: (i, 0)),
                  pl.BlockSpec((_M, _D), lambda i: (0, 0)),
                  pl.BlockSpec((1, _M), lambda i: (0, 0))],
        out_specs=[pl.BlockSpec((_QB2, _K), lambda i: (i, 0)),
                   pl.BlockSpec((_QB2, _K), lambda i: (i, 0))],
        out_shape=[jax.ShapeDtypeStruct((_S, _K), jnp.int32),
                   jax.ShapeDtypeStruct((_S, _K), jnp.float32)],
    )(q, keys, k2_row)
    return idx, d


def _sc_gather(table, idx_flat):
    n = idx_flat.shape[0]
    w = table.shape[1]
    window = 128
    idx2 = idx_flat.reshape(1, n)
    mesh = plsc.VectorSubcoreMesh(core_axis_name="core", subcore_axis_name="subcore")

    @functools.partial(pl.kernel,
                       out_type=jax.ShapeDtypeStruct((n, w), table.dtype),
                       mesh=mesh)
    def gather_kernel(tab_hbm, i_hbm, o_hbm):
        def body(i_vmem, o_vmem):
            pltpu.sync_copy(tab_hbm.at[i_vmem.at[0]], o_vmem)

        pltpu.emit_pipeline(
            body,
            grid=(n // window,),
            in_specs=[pl.BlockSpec((1, window), lambda i: (0, i))],
            out_specs=[pl.BlockSpec((window, w), lambda i: (i, 0))],
            core_axis_name=("core", "subcore"),
            dimension_semantics=(pltpu.PARALLEL,),
        )(i_hbm, o_hbm)

    return gather_kernel(table, idx2)


def _k3_body(ga1_ref, ga2_ref, d_ref, cre_ref, cim_ref, a_ref, b_ref, bro_ref,
             w_out_ref, b_out_ref, g_out_ref, be_out_ref, out_ref):
    ga = jnp.concatenate([ga1_ref[...], ga2_ref[...]], axis=-1)
    ga3 = ga.reshape(_QB3, _K, _TW)
    coh = ga3[:, :, 704:705]
    gain = ga3[:, :, 705:706]
    d3 = d_ref[...][:, :, None]
    logits = -d3 * gain + coh
    logits = logits - jnp.max(logits, axis=1, keepdims=True)
    e = jnp.exp(logits)
    w3 = e / jnp.sum(e, axis=1, keepdims=True)

    acc = jnp.zeros((_QB3, _TW), jnp.float32)
    for k in range(_K):
        acc = acc + w3[:, k, :] * ga3[:, k, :]

    vals_bar = acc[:, 0:192]
    hr = acc[:, 192:448]
    hi = acc[:, 448:704]
    cre = cre_ref[...]
    cim = cim_ref[...]
    u_re = cre * hr + cim * hi
    u_im = cre * hi - cim * hr
    read_holo = (jax.lax.dot_general(u_re, a_ref[...], (((1,), (0,)), ((), ())),
                                     precision=_PREC,
                                     preferred_element_type=jnp.float32)
                 + jax.lax.dot_general(u_im, b_ref[...], (((1,), (0,)), ((), ())),
                                       precision=_PREC,
                                       preferred_element_type=jnp.float32)
                 + bro_ref[...])
    combined = vals_bar + read_holo
    pre = _dot(combined, w_out_ref[...]) + b_out_ref[...]
    out_ref[...] = _gelu(_ln_rows(pre, g_out_ref[...], be_out_ref[...]))


def _run_k3(ga1, ga2, d, cre, cim, A, Bm, b_ro, W_out, b_out, g_out, be_out):
    grid = (_S // _QB3,)
    out = pl.pallas_call(
        _k3_body,
        grid=grid,
        in_specs=[pl.BlockSpec((_QB3 * _K, _TW // 2), lambda i: (i, 0)),
                  pl.BlockSpec((_QB3 * _K, _TW // 2), lambda i: (i, 0)),
                  pl.BlockSpec((_QB3, _K), lambda i: (i, 0)),
                  pl.BlockSpec((_QB3, _HOLO), lambda i: (i, 0)),
                  pl.BlockSpec((_QB3, _HOLO), lambda i: (i, 0)),
                  pl.BlockSpec((_HOLO, 3 * _D), lambda i: (0, 0)),
                  pl.BlockSpec((_HOLO, 3 * _D), lambda i: (0, 0)),
                  pl.BlockSpec((1, 3 * _D), lambda i: (0, 0)),
                  pl.BlockSpec((_IN, 3 * _D), lambda i: (0, 0)),
                  pl.BlockSpec((1, _IN), lambda i: (0, 0)),
                  pl.BlockSpec((1, _IN), lambda i: (0, 0)),
                  pl.BlockSpec((1, _IN), lambda i: (0, 0))],
        out_specs=pl.BlockSpec((_QB3, _IN), lambda i: (i, 0)),
        out_shape=jax.ShapeDtypeStruct((_S, _IN), jnp.float32),
    )(ga1, ga2, d, cre, cim, A, Bm, b_ro, W_out, b_out, g_out, be_out)
    return out


def kernel(x, keys, values, quantum_phase, quantum_gain, ricci_flow,
           fractal_weights, W_in, b_in, g_in, be_in, W_out, b_out, g_out,
           be_out, W_kp, b_kp, entangle_key, holo_re, holo_im, W_ro, b_ro):
    del fractal_weights

    x2d = x.reshape(_S, _IN)

    h = jnp.arange(_HOLO, dtype=jnp.float32)[:, None]
    nn = jnp.arange(_HOLO, dtype=jnp.float32)[None, :]
    ang = (2.0 * jnp.pi / _HOLO) * h * nn
    F_re = jnp.cos(ang) / _HOLO
    F_im = jnp.sin(ang) / _HOLO
    Wr1 = W_ro[:, :_HOLO].T
    Wr2 = W_ro[:, _HOLO:].T
    A = F_re @ Wr1 + F_im @ Wr2
    Bm = F_re @ Wr2 - F_im @ Wr1

    coh, k2 = _run_k0(quantum_phase, keys)

    q, cre, cim = _run_k1(
        x2d, W_in, b_in.reshape(1, -1), g_in.reshape(1, -1),
        be_in.reshape(1, -1), ricci_flow, W_kp,
        (b_kp + entangle_key).reshape(1, -1))

    idx, d = _run_k2(q, keys, k2.reshape(1, _M))

    table = jnp.concatenate(
        [values, holo_re, holo_im, coh, quantum_gain.reshape(_M, 1),
         jnp.zeros((_M, _TW - 706), jnp.float32)], axis=1)
    idx_flat = idx.reshape(_S * _K)
    ga1 = _sc_gather(table[:, :_TW // 2], idx_flat)
    ga2 = _sc_gather(table[:, _TW // 2:], idx_flat)

    out = _run_k3(ga1, ga2, d, cre, cim, A, Bm, b_ro.reshape(1, -1),
                  W_out, b_out.reshape(1, -1), g_out.reshape(1, -1),
                  be_out.reshape(1, -1))
    return out.reshape(_B, _S, _IN)

# --- scband reference (transcript-rebuilt; emitter-appended) ---
"""Pipeline reference for scband-enhanced-hyper-geometric-memory-42202348650973 (READ-ONLY COPY).

The authoritative reference and input builder live on the scoring server;
editing this copy changes nothing except your own understanding.
"""

import jax, jax.numpy as jnp
import numpy as np

B, S, IN, D, M, Q, HOLO, K, SC = 1, 2048, 1024, 64, 16384, 8, 256, 32, 4

def _ln(x, g, b):
    m = x.mean(axis=-1, keepdims=True)
    v = jnp.mean((x - m) ** 2, axis=-1, keepdims=True)
    return (x - m) / jnp.sqrt(v + 1e-05) * g + b

def setup_inputs():
    ks = jax.random.split(jax.random.key(0), 12)
    n = lambda k, sh: jax.random.normal(k, sh, dtype=jnp.float32)
    return {
        'x': n(ks[0], (B, S, IN)),
        'keys': n(ks[1], (M, D)),
        'values': n(ks[2], (M, 3 * D)),
        'quantum_phase': n(ks[3], (M, Q)),
        'quantum_gain': jnp.ones((M,), jnp.float32),
        'ricci_flow': jnp.eye(D, dtype=jnp.float32),
        'fractal_weights': jnp.ones((SC,), jnp.float32),
        'W_in': n(ks[4], (3 * D, IN)) * 0.02,
        'b_in': jnp.zeros((3 * D,), jnp.float32),
        'g_in': jnp.ones((3 * D,), jnp.float32),
        'be_in': jnp.zeros((3 * D,), jnp.float32),
        'W_out': n(ks[5], (IN, 3 * D)) * 0.02,
        'b_out': jnp.zeros((IN,), jnp.float32),
        'g_out': jnp.ones((IN,), jnp.float32),
        'be_out': jnp.zeros((IN,), jnp.float32),
        'W_kp': n(ks[6], (HOLO, IN)) * 0.02,
        'b_kp': jnp.zeros((HOLO,), jnp.float32),
        'entangle_key': jnp.zeros((HOLO,), jnp.float32),
        'holo_re': n(ks[7], (M, HOLO)) * 0.05,
        'holo_im': n(ks[8], (M, HOLO)) * 0.05,
        'W_ro': n(ks[9], (3 * D, 2 * HOLO)) * 0.02,
        'b_ro': jnp.zeros((3 * D,), jnp.float32),
    }

def reference(x, keys, values, quantum_phase, quantum_gain, ricci_flow, fractal_weights, W_in, b_in, g_in, be_in, W_out, b_out, g_out, be_out, W_kp, b_kp, entangle_key, holo_re, holo_im, W_ro, b_ro):
    # input projection -> manifold encode (Linear + LayerNorm + GELU, then ricci flow)
    proj = jax.nn.gelu(_ln(x @ W_in.T + b_in, g_in, be_in), approximate=False)
    z = proj.reshape(B, S, D, 3)
    z = jnp.einsum('bseq,ed->bsdq', z, ricci_flow)
    q = z.mean(axis=-1)
    # fractal multi-scale pairwise squared-L2 distance (no-grad, selection only)
    q2 = (q ** 2).sum(axis=-1)
    k2 = (keys ** 2).sum(axis=-1)
    base = jnp.maximum(q2[..., None] + k2[None, None, :] - 2.0 * jnp.einsum('bsd,md->bsm', q, keys), 0.0)
    sc = jnp.sum(jax.nn.softmax(fractal_weights) / (4.0 ** jnp.arange(SC)))
    dsum = jax.lax.stop_gradient(base * sc)
    _, idx = jax.lax.top_k(-dsum, K)  # (B, S, K) retrieval over memory slots
    # differentiable re-scored attention over shortlisted slots
    sel_keys = keys[idx]
    d = ((q[..., None, :] - sel_keys) ** 2).sum(axis=-1)
    gain = quantum_gain[idx]
    coh = jnp.cos(quantum_phase[idx]).mean(axis=-1)
    temperature = 1.0
    w = jax.nn.softmax((-d * gain + coh) / temperature, axis=-1)
    read_assoc = jnp.einsum('bsk,bske->bse', w, values[idx])
    # holographic (HRR) read: unbind gathered holograms with key phases, iFFT, readout
    kp = x @ W_kp.T + b_kp + entangle_key
    c_re = jnp.cos(kp)
    c_im = jnp.sin(kp)
    Hr = holo_re[idx]
    Hi = holo_im[idx]
    U_re = Hr * c_re[..., None, :] + Hi * c_im[..., None, :]
    U_im = Hi * c_re[..., None, :] - Hr * c_im[..., None, :]
    u = jnp.einsum('bsk,bskh->bsh', w, U_re) + 1j * jnp.einsum('bsk,bskh->bsh', w, U_im)
    t = jnp.fft.ifft(u, axis=-1)
    feat = jnp.concatenate([t.real, t.imag], axis=-1)
    read_holo = feat @ W_ro.T + b_ro
    combined = read_assoc + read_holo
    out = jax.nn.gelu(_ln(combined @ W_out.T + b_out, g_out, be_out), approximate=False)
    return out

if __name__ == "__main__":
    import jax
    _d = setup_inputs()
    print(jax.jit(kernel)(*tuple(_d.values())))

</pallas_src>

<mosaic_0001>
#map = affine_map<(d0, d1) -> (0, 0)>
module attributes {stable_mosaic.version = 14 : i64} {
  func.func @gather_kernel(%arg0: i32, %arg1: i32, %arg2: memref<16384x384xf32, #tpu.memory_space<hbm>>, %arg3: memref<1x65536xi32, #tpu.memory_space<hbm>>, %arg4: memref<65536x384xf32, #tpu.memory_space<hbm>>) attributes {dimension_semantics = [#tpu.dimension_semantics<core_parallel>, #tpu.dimension_semantics<subcore_parallel>], iteration_bounds = array<i64: 2, 16>, scalar_prefetch = 0 : i64, scratch_operands = 0 : i64, tpu.core_type = #tpu.core_type<sc_vector_subcore>, window_params = [{transform_indices = #map}, {transform_indices = #map}, {transform_indices = #map}]} {
    %mul3A = arith.constant 1 : i32
    %mul3A_0 = arith.muli %arg1, %mul3A : i32
    %add3A = arith.constant 0 : i32
    %add3A_1 = arith.addi %add3A, %mul3A_0 : i32
    %mul3A_2 = arith.constant 16 : i32
    %mul3A_3 = arith.muli %arg0, %mul3A_2 : i32
    %add3A_4 = arith.addi %add3A_1, %mul3A_3 : i32
    %mul3A_5 = arith.constant 16 : i32
    %mul3A_6 = arith.muli %add3A_4, %mul3A_5 : i32
    "tpu.region"() ({
      %run_scoped3A = memref.alloca() : memref<2x1x128xi32, #tpu.memory_space<vmem>>
      %run_scoped3A_7 = tpu.sem_alloc : memref<2x!tpu.dma_semaphore, #tpu.memory_space<semaphore_mem>>
      %run_scoped3A_8 = memref.alloca() : memref<2x128x384xf32, #tpu.memory_space<vmem>>
      %run_scoped3A_9 = tpu.sem_alloc : memref<2x!tpu.dma_semaphore, #tpu.memory_space<semaphore_mem>>
      %add3A_10 = arith.constant 0 : i32
      %add3A_11 = arith.addi %add3A_10, %mul3A_6 : i32
      %select_n3A = arith.constant true
      %select_n3A_12 = arith.constant 0 : i32
      %select_n3A_13 = arith.constant -1 : i32
      %select_n3A_14 = arith.select %select_n3A, %select_n3A_13, %select_n3A_12 : i32
      %eq3A = arith.constant -1 : i32
      %eq3A_15 = arith.cmpi eq, %select_n3A_14, %eq3A : i32
      %select_n3A_16 = arith.constant 15 : i32
      %select_n3A_17 = arith.select %eq3A_15, %select_n3A_16, %select_n3A_14 : i32
      %add3A_18 = arith.addi %select_n3A_17, %mul3A_6 : i32
      %select_n3A_19 = arith.constant true
      %select_n3A_20 = arith.constant 0 : i32
      %select_n3A_21 = arith.constant 1 : i32
      %select_n3A_22 = arith.select %select_n3A_19, %select_n3A_21, %select_n3A_20 : i32
      %eq3A_23 = arith.constant 16 : i32
      %eq3A_24 = arith.cmpi eq, %select_n3A_22, %eq3A_23 : i32
      %select_n3A_25 = arith.constant 0 : i32
      %select_n3A_26 = arith.select %eq3A_24, %select_n3A_25, %select_n3A_22 : i32
      %add3A_27 = arith.addi %select_n3A_26, %mul3A_6 : i32
      %add3A_28 = arith.constant 1 : i32
      %add3A_29 = arith.addi %select_n3A_26, %add3A_28 : i32
      %select_n3A_30 = arith.constant true
      %select_n3A_31 = arith.select %select_n3A_30, %add3A_29, %select_n3A_26 : i32
      %eq3A_32 = arith.constant 16 : i32
      %eq3A_33 = arith.cmpi eq, %select_n3A_31, %eq3A_32 : i32
      %select_n3A_34 = arith.constant 0 : i32
      %select_n3A_35 = arith.select %eq3A_33, %select_n3A_34, %select_n3A_31 : i32
      %add3A_36 = arith.addi %select_n3A_35, %mul3A_6 : i32
      "tpu.trace_start"() <{level = 10 : i32, message = "ep_initialize_0"}> : () -> ()
      %rem3A = arith.constant 0 : i32
      %rem3A_37 = arith.constant 2 : i32
      %rem3A_38 = arith.remui %rem3A, %rem3A_37 : i32
      %mul3A_39 = arith.constant 128 : i32
      %mul3A_40 = arith.muli %mul3A_39, %add3A_11 : i32
      %dma_start3A = arith.constant 0 : i32
      %dma_start3A_41 = arith.constant 0 : i32
      %dma_start3A_42 = tpu.memref_slice %run_scoped3A[%rem3A_38, %dma_start3A, %dma_start3A_41] : memref<2x1x128xi32, #tpu.memory_space<vmem>> -> memref<1x1x128xi32, #tpu.memory_space<vmem>>
      %dma_start3A_43 = tpu.memref_squeeze %dma_start3A_42 : memref<1x1x128xi32, #tpu.memory_space<vmem>> -> memref<1x128xi32, #tpu.memory_space<vmem>>
      %dma_start3A_44 = arith.constant 0 : i32
      %dma_start3A_45 = tpu.memref_slice %arg3[%dma_start3A_44, %mul3A_40] : memref<1x65536xi32, #tpu.memory_space<hbm>> -> memref<1x128xi32, #tpu.memory_space<hbm>>
      %dma_start3A_46 = tpu.memref_slice %run_scoped3A_7[%rem3A_38] : memref<2x!tpu.dma_semaphore, #tpu.memory_space<semaphore_mem>> -> memref<1x!tpu.dma_semaphore, #tpu.memory_space<semaphore_mem>>
      %dma_start3A_47 = tpu.memref_squeeze %dma_start3A_46 : memref<1x!tpu.dma_semaphore, #tpu.memory_space<semaphore_mem>> -> memref<!tpu.dma_semaphore, #tpu.memory_space<semaphore_mem>>
      %dma_start3A_48 = arith.constant 0 : i32
      %dma_start3A_49 = arith.constant 0 : i32
      %dma_start3A_50 = tpu.memref_slice %run_scoped3A[%rem3A_38, %dma_start3A_48, %dma_start3A_49] : memref<2x1x128xi32, #tpu.memory_space<vmem>> -> memref<1x1x128xi32, #tpu.memory_space<vmem>>
      %dma_start3A_51 = tpu.memref_squeeze %dma_start3A_50 : memref<1x1x128xi32, #tpu.memory_space<vmem>> -> memref<1x128xi32, #tpu.memory_space<vmem>>
      %dma_start3A_52 = arith.constant 0 : i32
      %dma_start3A_53 = tpu.memref_slice %arg3[%dma_start3A_52, %mul3A_40] : memref<1x65536xi32, #tpu.memory_space<hbm>> -> memref<1x128xi32, #tpu.memory_space<hbm>>
      tpu.enqueue_dma source(%dma_start3A_53 : memref<1x128xi32, #tpu.memory_space<hbm>>) target(%dma_start3A_51 : memref<1x128xi32, #tpu.memory_space<vmem>>) target_semaphore(%dma_start3A_47 : memref<!tpu.dma_semaphore, #tpu.memory_space<semaphore_mem>>)
      %add3A_54 = arith.constant 0 : i32
      %add3A_55 = arith.constant 1 : i32
      %add3A_56 = arith.addi %add3A_54, %add3A_55 : i32
      %select_n3A_57 = arith.constant true
      %select_n3A_58 = arith.constant 0 : i32
      %select_n3A_59 = arith.select %select_n3A_57, %add3A_56, %select_n3A_58 : i32
      "tpu.trace_stop"() : () -> ()
      %scan3A = arith.constant 0 : i32
      %scan3A_60 = arith.constant 0 : i32
      %scan3A_61 = arith.constant 0 : i32
      %scan3A_62 = arith.constant 0 : i32
      %scan3A_63 = arith.constant 0 : i32
      %scan3A_64 = arith.constant 16 : i32
      %scan3A_65 = arith.addi %scan3A_63, %scan3A_64 : i32
      %scan3A_66 = arith.constant 1 : i32
      %scan3A_67:5 = scf.for %scan3A_121 = %scan3A_63 to %scan3A_65 step %scan3A_66 iter_args(%scan3A_122 = %select_n3A_59, %scan3A_123 = %scan3A, %scan3A_124 = %scan3A_60, %scan3A_125 = %scan3A_61, %scan3A_126 = %scan3A_62) -> (i32, i32, i32, i32, i32)  : i32 {
        %eq3A_127 = arith.constant 0 : i32
        %eq3A_128 = arith.cmpi eq, %scan3A_121, %eq3A_127 : i32
        %eq3A_129 = arith.constant 15 : i32
        %eq3A_130 = arith.cmpi eq, %scan3A_121, %eq3A_129 : i32
        %add3A_131 = arith.addi %scan3A_126, %mul3A_6 : i32
        %sub3A_132 = arith.constant 1 : i32
        %sub3A_133 = arith.subi %scan3A_126, %sub3A_132 : i32
        %select_n3A_134 = arith.constant true
        %select_n3A_135 = arith.select %select_n3A_134, %sub3A_133, %scan3A_126 : i32
        %eq3A_136 = arith.constant -1 : i32
        %eq3A_137 = arith.cmpi eq, %select_n3A_135, %eq3A_136 : i32
        %select_n3A_138 = arith.constant 15 : i32
        %select_n3A_139 = arith.select %eq3A_137, %select_n3A_138, %select_n3A_135 : i32
        %add3A_140 = arith.addi %select_n3A_139, %mul3A_6 : i32
        %add3A_141 = arith.constant 1 : i32
        %add3A_142 = arith.addi %scan3A_126, %add3A_141 : i32
        %select_n3A_143 = arith.constant true
        %select_n3A_144 = arith.select %select_n3A_143, %add3A_142, %scan3A_126 : i32
        %eq3A_145 = arith.constant 16 : i32
        %eq3A_146 = arith.cmpi eq, %select_n3A_144, %eq3A_145 : i32
        %select_n3A_147 = arith.constant 0 : i32
        %select_n3A_148 = arith.select %eq3A_146, %select_n3A_147, %select_n3A_144 : i32
        %add3A_149 = arith.addi %select_n3A_148, %mul3A_6 : i32
        %add3A_150 = arith.constant 1 : i32
        %add3A_151 = arith.addi %select_n3A_148, %add3A_150 : i32
        %select_n3A_152 = arith.constant true
        %select_n3A_153 = arith.select %select_n3A_152, %add3A_151, %select_n3A_148 : i32
        %eq3A_154 = arith.constant 16 : i32
        %eq3A_155 = arith.cmpi eq, %select_n3A_153, %eq3A_154 : i32
        %select_n3A_156 = arith.constant 0 : i32
        %select_n3A_157 = arith.select %eq3A_155, %select_n3A_156, %select_n3A_153 : i32
        %add3A_158 = arith.addi %select_n3A_157, %mul3A_6 : i32
        %ne3A = arith.cmpi ne, %add3A_131, %add3A_149 : i32
        %or3A = arith.constant false
        %or3A_159 = arith.ori %or3A, %ne3A : i1
        %ge3A = arith.constant 15 : i32
        %ge3A_160 = arith.cmpi sge, %scan3A_121, %ge3A : i32
        %not3A = arith.constant true
        %not3A_161 = arith.xori %ge3A_160, %not3A : i1
        %and3A = arith.andi %or3A_159, %not3A_161 : i1
        %convert_element_type3A = arith.extui %and3A : i1 to i32
        %cond3A = arith.constant 0 : i32
        %cond3A_162 = arith.cmpi ne, %convert_element_type3A, %cond3A : i32
        scf.if %cond3A_162 {
          "tpu.trace_start"() <{level = 10 : i32, message = "ep_copy_in"}> : () -> ()
          %rem3A_264 = arith.constant 2 : i32
          %rem3A_265 = arith.remui %scan3A_122, %rem3A_264 : i32
          %mul3A_266 = arith.constant 128 : i32
          %mul3A_267 = arith.muli %mul3A_266, %add3A_149 : i32
          %dma_start3A_268 = arith.constant 0 : i32
          %dma_start3A_269 = arith.constant 0 : i32
          %dma_start3A_270 = tpu.memref_slice %run_scoped3A[%rem3A_265, %dma_start3A_268, %dma_start3A_269] : memref<2x1x128xi32, #tpu.memory_space<vmem>> -> memref<1x1x128xi32, #tpu.memory_space<vmem>>
          %dma_start3A_271 = tpu.memref_squeeze %dma_start3A_270 : memref<1x1x128xi32, #tpu.memory_space<vmem>> -> memref<1x128xi32, #tpu.memory_space<vmem>>
          %dma_start3A_272 = arith.constant 0 : i32
          %dma_start3A_273 = tpu.memref_slice %arg3[%dma_start3A_272, %mul3A_267] : memref<1x65536xi32, #tpu.memory_space<hbm>> -> memref<1x128xi32, #tpu.memory_space<hbm>>
          %dma_start3A_274 = tpu.memref_slice %run_scoped3A_7[%rem3A_265] : memref<2x!tpu.dma_semaphore, #tpu.memory_space<semaphore_mem>> -> memref<1x!tpu.dma_semaphore, #tpu.memory_space<semaphore_mem>>
          %dma_start3A_275 = tpu.memref_squeeze %dma_start3A_274 : memref<1x!tpu.dma_semaphore, #tpu.memory_space<semaphore_mem>> -> memref<!tpu.dma_semaphore, #tpu.memory_space<semaphore_mem>>
          %dma_start3A_276 = arith.constant 0 : i32
          %dma_start3A_277 = arith.constant 0 : i32
          %dma_start3A_278 = tpu.memref_slice %run_scoped3A[%rem3A_265, %dma_start3A_276, %dma_start3A_277] : memref<2x1x128xi32, #tpu.memory_space<vmem>> -> memref<1x1x128xi32, #tpu.memory_space<vmem>>
          %dma_start3A_279 = tpu.memref_squeeze %dma_start3A_278 : memref<1x1x128xi32, #tpu.memory_space<vmem>> -> memref<1x128xi32, #tpu.memory_space<vmem>>
          %dma_start3A_280 = arith.constant 0 : i32
          %dma_start3A_281 = tpu.memref_slice %arg3[%dma_start3A_280, %mul3A_267] : memref<1x65536xi32, #tpu.memory_space<hbm>> -> memref<1x128xi32, #tpu.memory_space<hbm>>
          tpu.enqueue_dma source(%dma_start3A_281 : memref<1x128xi32, #tpu.memory_space<hbm>>) target(%dma_start3A_279 : memref<1x128xi32, #tpu.memory_space<vmem>>) target_semaphore(%dma_start3A_275 : memref<!tpu.dma_semaphore, #tpu.memory_space<semaphore_mem>>)
          "tpu.trace_stop"() : () -> ()
        } else {
        }
        %and3A_163 = arith.constant true
        %and3A_164 = arith.andi %and3A, %and3A_163 : i1
        %add3A_165 = arith.constant 1 : i32
        %add3A_166 = arith.addi %scan3A_122, %add3A_165 : i32
        %select_n3A_167 = arith.select %and3A_164, %add3A_166, %scan3A_122 : i32
        %ne3A_168 = arith.cmpi ne, %add3A_131, %add3A_149 : i32
        %or3A_169 = arith.constant false
        %or3A_170 = arith.ori %or3A_169, %ne3A_168 : i1
        %or3A_171 = arith.constant false
        %or3A_172 = arith.ori %or3A_170, %or3A_171 : i1
        %ge3A_173 = arith.constant 15 : i32
        %ge3A_174 = arith.cmpi sge, %scan3A_121, %ge3A_173 : i32
        %not3A_175 = arith.constant true
        %not3A_176 = arith.xori %ge3A_174, %not3A_175 : i1
        %and3A_177 = arith.andi %or3A_172, %not3A_176 : i1
        %ne3A_178 = arith.cmpi ne, %add3A_131, %add3A_140 : i32
        %or3A_179 = arith.constant false
        %or3A_180 = arith.ori %or3A_179, %ne3A_178 : i1
        %or3A_181 = arith.ori %or3A_180, %eq3A_128 : i1
        %convert_element_type3A_182 = arith.extui %or3A_181 : i1 to i32
        %cond3A_183 = arith.constant 0 : i32
        %cond3A_184 = arith.cmpi ne, %convert_element_type3A_182, %cond3A_183 : i32
        scf.if %cond3A_184 {
          "tpu.trace_start"() <{level = 10 : i32, message = "ep_wait_in"}> : () -> ()
          %mul3A_264 = arith.constant 128 : i32
          %mul3A_265 = arith.muli %mul3A_264, %add3A_131 : i32
          %rem3A_266 = arith.constant 2 : i32
          %rem3A_267 = arith.remui %scan3A_123, %rem3A_266 : i32
          %dma_wait3A_268 = arith.constant 0 : i32
          %dma_wait3A_269 = arith.constant 0 : i32
          %dma_wait3A_270 = tpu.memref_slice %run_scoped3A[%rem3A_267, %dma_wait3A_268, %dma_wait3A_269] : memref<2x1x128xi32, #tpu.memory_space<vmem>> -> memref<1x1x128xi32, #tpu.memory_space<vmem>>
          %dma_wait3A_271 = tpu.memref_squeeze %dma_wait3A_270 : memref<1x1x128xi32, #tpu.memory_space<vmem>> -> memref<1x128xi32, #tpu.memory_space<vmem>>
          %dma_wait3A_272 = arith.constant 0 : i32
          %dma_wait3A_273 = tpu.memref_slice %arg3[%dma_wait3A_272, %mul3A_265] : memref<1x65536xi32, #tpu.memory_space<hbm>> -> memref<1x128xi32, #tpu.memory_space<hbm>>
          %dma_wait3A_274 = tpu.memref_slice %run_scoped3A_7[%rem3A_267] : memref<2x!tpu.dma_semaphore, #tpu.memory_space<semaphore_mem>> -> memref<1x!tpu.dma_semaphore, #tpu.memory_space<semaphore_mem>>
          %dma_wait3A_275 = tpu.memref_squeeze %dma_wait3A_274 : memref<1x!tpu.dma_semaphore, #tpu.memory_space<semaphore_mem>> -> memref<!tpu.dma_semaphore, #tpu.memory_space<semaphore_mem>>
          %dma_wait3A_276 = arith.constant 0 : i32
          %dma_wait3A_277 = arith.constant 0 : i32
          %dma_wait3A_278 = tpu.memref_slice %run_scoped3A[%rem3A_267, %dma_wait3A_276, %dma_wait3A_277] : memref<2x1x128xi32, #tpu.memory_space<vmem>> -> memref<1x1x128xi32, #tpu.memory_space<vmem>>
          %dma_wait3A_279 = tpu.memref_squeeze %dma_wait3A_278 : memref<1x1x128xi32, #tpu.memory_space<vmem>> -> memref<1x128xi32, #tpu.memory_space<vmem>>
          %dma_wait3A_280 = arith.constant 0 : i32
          %dma_wait3A_281 = tpu.memref_slice %arg3[%dma_wait3A_280, %mul3A_265] : memref<1x65536xi32, #tpu.memory_space<hbm>> -> memref<1x128xi32, #tpu.memory_space<hbm>>
          tpu.wait_dma2 semaphore(%dma_wait3A_275 : memref<!tpu.dma_semaphore, #tpu.memory_space<semaphore_mem>>) src(%dma_wait3A_281 : memref<1x128xi32, #tpu.memory_space<hbm>>) dst(%dma_wait3A_279 : memref<1x128xi32, #tpu.memory_space<vmem>>)
          "tpu.trace_stop"() : () -> ()
        } else {
        }
        %ne3A_185 = arith.cmpi ne, %add3A_131, %add3A_140 : i32
        %or3A_186 = arith.constant false
        %or3A_187 = arith.ori %or3A_186, %ne3A_185 : i1
        %or3A_188 = arith.constant false
        %or3A_189 = arith.ori %or3A_187, %or3A_188 : i1
        %or3A_190 = arith.ori %or3A_189, %eq3A_128 : i1
        %convert_element_type3A_191 = arith.extui %or3A_190 : i1 to i32
        %cond3A_192 = arith.constant 0 : i32
        %cond3A_193 = arith.cmpi ne, %convert_element_type3A_191, %cond3A_192 : i32
        scf.if %cond3A_193 {
        } else {
        }
        %rem3A_194 = arith.constant 2 : i32
        %rem3A_195 = arith.remui %scan3A_123, %rem3A_194 : i32
        %rem3A_196 = arith.constant 2 : i32
        %rem3A_197 = arith.remui %scan3A_124, %rem3A_196 : i32
        %run_scoped3A_198 = arith.constant 0 : i32
        "tpu.trace_start"() <{level = 10 : i32, message = "ep_run_kernel"}> : () -> ()
        "tpu.region"() ({
          %run_scoped3A_264 = tpu.sem_alloc : memref<!tpu.dma_semaphore, #tpu.memory_space<semaphore_mem>>
          %dma_start3A_265 = arith.constant 0 : i32
          %dma_start3A_266 = arith.constant 0 : i32
          %dma_start3A_267 = tpu.memref_slice %run_scoped3A_8[%rem3A_197, %dma_start3A_265, %dma_start3A_266] : memref<2x128x384xf32, #tpu.memory_space<vmem>> -> memref<1x128x384xf32, #tpu.memory_space<vmem>>
          %dma_start3A_268 = tpu.memref_squeeze %dma_start3A_267 : memref<1x128x384xf32, #tpu.memory_space<vmem>> -> memref<128x384xf32, #tpu.memory_space<vmem>>
          %dma_start3A_269 = arith.constant 0 : i32
          %dma_start3A_270 = arith.constant 0 : i32
          %dma_start3A_271 = tpu.memref_slice %run_scoped3A[%rem3A_195, %dma_start3A_269, %dma_start3A_270] : memref<2x1x128xi32, #tpu.memory_space<vmem>> -> memref<1x1x128xi32, #tpu.memory_space<vmem>>
          %dma_start3A_272 = tpu.memref_squeeze %dma_start3A_271 : memref<1x1x128xi32, #tpu.memory_space<vmem>> -> memref<1x128xi32, #tpu.memory_space<vmem>>
          %dma_start3A_273 = arith.constant 0 : i32
          %dma_start3A_274 = tpu.memref_slice %dma_start3A_272[%run_scoped3A_198, %dma_start3A_273] : memref<1x128xi32, #tpu.memory_space<vmem>> -> memref<1x128xi32, #tpu.memory_space<vmem>>
          %dma_start3A_275 = tpu.memref_squeeze %dma_start3A_274 : memref<1x128xi32, #tpu.memory_space<vmem>> -> memref<128xi32, #tpu.memory_space<vmem>>
          %dma_start3A_276 = arith.constant 0 : i32
          %dma_start3A_277 = arith.constant 0 : i32
          %dma_start3A_278 = tpu.memref_slice %arg2[%dma_start3A_276, %dma_start3A_277] : memref<16384x384xf32, #tpu.memory_space<hbm>> -> memref<16384x384xf32, #tpu.memory_space<hbm>>
          tpu.enqueue_indirect_dma source(%dma_start3A_278 : memref<16384x384xf32, #tpu.memory_space<hbm>>) target(%dma_start3A_268 : memref<128x384xf32, #tpu.memory_space<vmem>>) offsets(%dma_start3A_275 : memref<128xi32, #tpu.memory_space<vmem>>) semaphore(%run_scoped3A_264 : memref<!tpu.dma_semaphore, #tpu.memory_space<semaphore_mem>>)
          %dma_wait3A_279 = arith.constant 0 : i32
          %dma_wait3A_280 = arith.constant 0 : i32
          %dma_wait3A_281 = tpu.memref_slice %run_scoped3A_8[%rem3A_197, %dma_wait3A_279, %dma_wait3A_280] : memref<2x128x384xf32, #tpu.memory_space<vmem>> -> memref<1x128x384xf32, #tpu.memory_space<vmem>>
          %dma_wait3A_282 = tpu.memref_squeeze %dma_wait3A_281 : memref<1x128x384xf32, #tpu.memory_space<vmem>> -> memref<128x384xf32, #tpu.memory_space<vmem>>
          %dma_wait3A_283 = arith.constant 0 : i32
          %dma_wait3A_284 = arith.constant 0 : i32
          %dma_wait3A_285 = tpu.memref_slice %run_scoped3A[%rem3A_195, %dma_wait3A_283, %dma_wait3A_284] : memref<2x1x128xi32, #tpu.memory_space<vmem>> -> memref<1x1x128xi32, #tpu.memory_space<vmem>>
          %dma_wait3A_286 = tpu.memref_squeeze %dma_wait3A_285 : memref<1x1x128xi32, #tpu.memory_space<vmem>> -> memref<1x128xi32, #tpu.memory_space<vmem>>
          %dma_wait3A_287 = arith.constant 0 : i32
          %dma_wait3A_288 = tpu.memref_slice %dma_wait3A_286[%run_scoped3A_198, %dma_wait3A_287] : memref<1x128xi32, #tpu.memory_space<vmem>> -> memref<1x128xi32, #tpu.memory_space<vmem>>
          %dma_wait3A_289 = tpu.memref_squeeze %dma_wait3A_288 : memref<1x128xi32, #tpu.memory_space<vmem>> -> memref<128xi32, #tpu.memory_space<vmem>>
          %dma_wait3A_290 = arith.constant 0 : i32
          %dma_wait3A_291 = arith.constant 0 : i32
          %dma_wait3A_292 = tpu.memref_slice %arg2[%dma_wait3A_290, %dma_wait3A_291] : memref<16384x384xf32, #tpu.memory_space<hbm>> -> memref<16384x384xf32, #tpu.memory_space<hbm>>
          tpu.wait_indirect_dma semaphore(%run_scoped3A_264 : memref<!tpu.dma_semaphore, #tpu.memory_space<semaphore_mem>>) src(%dma_wait3A_292 : memref<16384x384xf32, #tpu.memory_space<hbm>>) dst(%dma_wait3A_282 : memref<128x384xf32, #tpu.memory_space<vmem>>)
          tpu.yield
        }) : () -> ()
        "tpu.trace_stop"() : () -> ()
        %ne3A_199 = arith.cmpi ne, %add3A_131, %add3A_149 : i32
        %or3A_200 = arith.constant false
        %or3A_201 = arith.ori %or3A_200, %ne3A_199 : i1
        %or3A_202 = arith.ori %or3A_201, %eq3A_130 : i1
        %convert_element_type3A_203 = arith.extui %or3A_202 : i1 to i32
        %cond3A_204 = arith.constant 0 : i32
        %cond3A_205 = arith.cmpi ne, %convert_element_type3A_203, %cond3A_204 : i32
        scf.if %cond3A_205 {
        } else {
        }
        %and3A_206 = arith.constant false
        %and3A_207 = arith.andi %or3A_202, %and3A_206 : i1
        %ne3A_208 = arith.cmpi ne, %add3A_131, %add3A_149 : i32
        %or3A_209 = arith.constant false
        %or3A_210 = arith.ori %or3A_209, %ne3A_208 : i1
        %or3A_211 = arith.constant false
        %or3A_212 = arith.ori %or3A_210, %or3A_211 : i1
        %or3A_213 = arith.ori %or3A_212, %eq3A_130 : i1
        %convert_element_type3A_214 = arith.extui %or3A_213 : i1 to i32
        %cond3A_215 = arith.constant 0 : i32
        %cond3A_216 = arith.cmpi ne, %convert_element_type3A_214, %cond3A_215 : i32
        scf.if %cond3A_216 {
          "tpu.trace_start"() <{level = 10 : i32, message = "ep_copy_out"}> : () -> ()
          %rem3A_264 = arith.constant 2 : i32
          %rem3A_265 = arith.remui %scan3A_124, %rem3A_264 : i32
          %mul3A_266 = arith.constant 128 : i32
          %mul3A_267 = arith.muli %mul3A_266, %add3A_131 : i32
          %dma_start3A_268 = arith.constant 0 : i32
          %dma_start3A_269 = arith.constant 0 : i32
          %dma_start3A_270 = tpu.memref_slice %run_scoped3A_8[%rem3A_265, %dma_start3A_268, %dma_start3A_269] : memref<2x128x384xf32, #tpu.memory_space<vmem>> -> memref<1x128x384xf32, #tpu.memory_space<vmem>>
          %dma_start3A_271 = tpu.memref_squeeze %dma_start3A_270 : memref<1x128x384xf32, #tpu.memory_space<vmem>> -> memref<128x384xf32, #tpu.memory_space<vmem>>
          %dma_start3A_272 = arith.constant 0 : i32
          %dma_start3A_273 = tpu.memref_slice %arg4[%mul3A_267, %dma_start3A_272] : memref<65536x384xf32, #tpu.memory_space<hbm>> -> memref<128x384xf32, #tpu.memory_space<hbm>>
          %dma_start3A_274 = tpu.memref_slice %run_scoped3A_9[%rem3A_265] : memref<2x!tpu.dma_semaphore, #tpu.memory_space<semaphore_mem>> -> memref<1x!tpu.dma_semaphore, #tpu.memory_space<semaphore_mem>>
          %dma_start3A_275 = tpu.memref_squeeze %dma_start3A_274 : memref<1x!tpu.dma_semaphore, #tpu.memory_space<semaphore_mem>> -> memref<!tpu.dma_semaphore, #tpu.memory_space<semaphore_mem>>
          %dma_start3A_276 = arith.constant 0 : i32
          %dma_start3A_277 = tpu.memref_slice %arg4[%mul3A_267, %dma_start3A_276] : memref<65536x384xf32, #tpu.memory_space<hbm>> -> memref<128x384xf32, #tpu.memory_space<hbm>>
          %dma_start3A_278 = arith.constant 0 : i32
          %dma_start3A_279 = arith.constant 0 : i32
          %dma_start3A_280 = tpu.memref_slice %run_scoped3A_8[%rem3A_265, %dma_start3A_278, %dma_start3A_279] : memref<2x128x384xf32, #tpu.memory_space<vmem>> -> memref<1x128x384xf32, #tpu.memory_space<vmem>>
          %dma_start3A_281 = tpu.memref_squeeze %dma_start3A_280 : memref<1x128x384xf32, #tpu.memory_space<vmem>> -> memref<128x384xf32, #tpu.memory_space<vmem>>
          tpu.enqueue_dma source(%dma_start3A_281 : memref<128x384xf32, #tpu.memory_space<vmem>>) target(%dma_start3A_277 : memref<128x384xf32, #tpu.memory_space<hbm>>) target_semaphore(%dma_start3A_275 : memref<!tpu.dma_semaphore, #tpu.memory_space<semaphore_mem>>)
          "tpu.trace_stop"() : () -> ()
        } else {
        }
        %and3A_217 = arith.constant true
        %and3A_218 = arith.andi %or3A_213, %and3A_217 : i1
        %add3A_219 = arith.constant 1 : i32
        %add3A_220 = arith.addi %scan3A_124, %add3A_219 : i32
        %select_n3A_221 = arith.select %and3A_218, %add3A_220, %scan3A_124 : i32
        %ne3A_222 = arith.cmpi ne, %add3A_131, %add3A_140 : i32
        %or3A_223 = arith.constant false
        %or3A_224 = arith.ori %or3A_223, %ne3A_222 : i1
        %not3A_225 = arith.constant true
        %not3A_226 = arith.xori %eq3A_128, %not3A_225 : i1
        %and3A_227 = arith.andi %or3A_224, %not3A_226 : i1
        %convert_element_type3A_228 = arith.extui %and3A_227 : i1 to i32
        %cond3A_229 = arith.constant 0 : i32
        %cond3A_230 = arith.cmpi ne, %convert_element_type3A_228, %cond3A_229 : i32
        scf.if %cond3A_230 {
        } else {
        }
        %and3A_231 = arith.constant false
        %and3A_232 = arith.andi %and3A_227, %and3A_231 : i1
        %ne3A_233 = arith.cmpi ne, %add3A_131, %add3A_140 : i32
        %or3A_234 = arith.constant false
        %or3A_235 = arith.ori %or3A_234, %ne3A_233 : i1
        %or3A_236 = arith.constant false
        %or3A_237 = arith.ori %or3A_235, %or3A_236 : i1
        %not3A_238 = arith.constant true
        %not3A_239 = arith.xori %eq3A_128, %not3A_238 : i1
        %and3A_240 = arith.andi %or3A_237, %not3A_239 : i1
        %convert_element_type3A_241 = arith.extui %and3A_240 : i1 to i32
        %cond3A_242 = arith.constant 0 : i32
        %cond3A_243 = arith.cmpi ne, %convert_element_type3A_241, %cond3A_242 : i32
        scf.if %cond3A_243 {
          "tpu.trace_start"() <{level = 10 : i32, message = "ep_wait_out"}> : () -> ()
          %rem3A_264 = arith.constant 2 : i32
          %rem3A_265 = arith.remui %scan3A_125, %rem3A_264 : i32
          %mul3A_266 = arith.constant 128 : i32
          %mul3A_267 = arith.muli %mul3A_266, %add3A_140 : i32
          %dma_wait3A_268 = arith.constant 0 : i32
          %dma_wait3A_269 = arith.constant 0 : i32
          %dma_wait3A_270 = tpu.memref_slice %run_scoped3A_8[%rem3A_265, %dma_wait3A_268, %dma_wait3A_269] : memref<2x128x384xf32, #tpu.memory_space<vmem>> -> memref<1x128x384xf32, #tpu.memory_space<vmem>>
          %dma_wait3A_271 = tpu.memref_squeeze %dma_wait3A_270 : memref<1x128x384xf32, #tpu.memory_space<vmem>> -> memref<128x384xf32, #tpu.memory_space<vmem>>
          %dma_wait3A_272 = arith.constant 0 : i32
          %dma_wait3A_273 = tpu.memref_slice %arg4[%mul3A_267, %dma_wait3A_272] : memref<65536x384xf32, #tpu.memory_space<hbm>> -> memref<128x384xf32, #tpu.memory_space<hbm>>
          %dma_wait3A_274 = tpu.memref_slice %run_scoped3A_9[%rem3A_265] : memref<2x!tpu.dma_semaphore, #tpu.memory_space<semaphore_mem>> -> memref<1x!tpu.dma_semaphore, #tpu.memory_space<semaphore_mem>>
          %dma_wait3A_275 = tpu.memref_squeeze %dma_wait3A_274 : memref<1x!tpu.dma_semaphore, #tpu.memory_space<semaphore_mem>> -> memref<!tpu.dma_semaphore, #tpu.memory_space<semaphore_mem>>
          %dma_wait3A_276 = arith.constant 0 : i32
          %dma_wait3A_277 = tpu.memref_slice %arg4[%mul3A_267, %dma_wait3A_276] : memref<65536x384xf32, #tpu.memory_space<hbm>> -> memref<128x384xf32, #tpu.memory_space<hbm>>
          %dma_wait3A_278 = arith.constant 0 : i32
          %dma_wait3A_279 = arith.constant 0 : i32
          %dma_wait3A_280 = tpu.memref_slice %run_scoped3A_8[%rem3A_265, %dma_wait3A_278, %dma_wait3A_279] : memref<2x128x384xf32, #tpu.memory_space<vmem>> -> memref<1x128x384xf32, #tpu.memory_space<vmem>>
          %dma_wait3A_281 = tpu.memref_squeeze %dma_wait3A_280 : memref<1x128x384xf32, #tpu.memory_space<vmem>> -> memref<128x384xf32, #tpu.memory_space<vmem>>
          tpu.wait_dma2 semaphore(%dma_wait3A_275 : memref<!tpu.dma_semaphore, #tpu.memory_space<semaphore_mem>>) src(%dma_wait3A_281 : memref<128x384xf32, #tpu.memory_space<vmem>>) dst(%dma_wait3A_277 : memref<128x384xf32, #tpu.memory_space<hbm>>)
          "tpu.trace_stop"() : () -> ()
        } else {
        }
        %and3A_244 = arith.constant true
        %and3A_245 = arith.andi %and3A_240, %and3A_244 : i1
        %add3A_246 = arith.constant 1 : i32
        %add3A_247 = arith.addi %scan3A_125, %add3A_246 : i32
        %select_n3A_248 = arith.select %and3A_245, %add3A_247, %scan3A_125 : i32
        %ne3A_249 = arith.cmpi ne, %add3A_131, %add3A_149 : i32
        %or3A_250 = arith.constant false
        %or3A_251 = arith.ori %or3A_250, %ne3A_249 : i1
        %or3A_252 = arith.ori %or3A_251, %eq3A_130 : i1
        %add3A_253 = arith.constant 1 : i32
        %add3A_254 = arith.addi %scan3A_123, %add3A_253 : i32
        %select_n3A_255 = arith.select %or3A_252, %add3A_254, %scan3A_123 : i32
        %add3A_256 = arith.constant 1 : i32
        %add3A_257 = arith.addi %scan3A_126, %add3A_256 : i32
        %select_n3A_258 = arith.constant true
        %select_n3A_259 = arith.select %select_n3A_258, %add3A_257, %scan3A_126 : i32
        %eq3A_260 = arith.constant 16 : i32
        %eq3A_261 = arith.cmpi eq, %select_n3A_259, %eq3A_260 : i32
        %select_n3A_262 = arith.constant 0 : i32
        %select_n3A_263 = arith.select %eq3A_261, %select_n3A_262, %select_n3A_259 : i32
        scf.yield %select_n3A_167, %select_n3A_255, %select_n3A_221, %select_n3A_248, %select_n3A_263 : i32, i32, i32, i32, i32
      }
      %scan3A_68 = arith.constant 16 : i32
      %sub3A = arith.constant 1 : i32
      %sub3A_69 = arith.subi %scan3A_67#4, %sub3A : i32
      %select_n3A_70 = arith.constant true
      %select_n3A_71 = arith.select %select_n3A_70, %sub3A_69, %scan3A_67#4 : i32
      %eq3A_72 = arith.constant -1 : i32
      %eq3A_73 = arith.cmpi eq, %select_n3A_71, %eq3A_72 : i32
      %select_n3A_74 = arith.constant 15 : i32
      %select_n3A_75 = arith.select %eq3A_73, %select_n3A_74, %select_n3A_71 : i32
      %add3A_76 = arith.addi %select_n3A_75, %mul3A_6 : i32
      %sub3A_77 = arith.constant 1 : i32
      %sub3A_78 = arith.subi %select_n3A_75, %sub3A_77 : i32
      %select_n3A_79 = arith.constant true
      %select_n3A_80 = arith.select %select_n3A_79, %sub3A_78, %select_n3A_75 : i32
      %eq3A_81 = arith.constant -1 : i32
      %eq3A_82 = arith.cmpi eq, %select_n3A_80, %eq3A_81 : i32
      %select_n3A_83 = arith.constant 15 : i32
      %select_n3A_84 = arith.select %eq3A_82, %select_n3A_83, %select_n3A_80 : i32
      %add3A_85 = arith.addi %select_n3A_84, %mul3A_6 : i32
      %add3A_86 = arith.constant 1 : i32
      %add3A_87 = arith.addi %select_n3A_75, %add3A_86 : i32
      %select_n3A_88 = arith.constant true
      %select_n3A_89 = arith.select %select_n3A_88, %add3A_87, %select_n3A_75 : i32
      %eq3A_90 = arith.constant 16 : i32
      %eq3A_91 = arith.cmpi eq, %select_n3A_89, %eq3A_90 : i32
      %select_n3A_92 = arith.constant 0 : i32
      %select_n3A_93 = arith.select %eq3A_91, %select_n3A_92, %select_n3A_89 : i32
      %add3A_94 = arith.addi %select_n3A_93, %mul3A_6 : i32
      %add3A_95 = arith.constant 1 : i32
      %add3A_96 = arith.addi %select_n3A_93, %add3A_95 : i32
      %select_n3A_97 = arith.constant true
      %select_n3A_98 = arith.select %select_n3A_97, %add3A_96, %select_n3A_93 : i32
      %eq3A_99 = arith.constant 16 : i32
      %eq3A_100 = arith.cmpi eq, %select_n3A_98, %eq3A_99 : i32
      %select_n3A_101 = arith.constant 0 : i32
      %select_n3A_102 = arith.select %eq3A_100, %select_n3A_101, %select_n3A_98 : i32
      %add3A_103 = arith.addi %select_n3A_102, %mul3A_6 : i32
      "tpu.trace_start"() <{level = 10 : i32, message = "ep_finalize"}> : () -> ()
      %rem3A_104 = arith.constant 2 : i32
      %rem3A_105 = arith.remui %scan3A_67#3, %rem3A_104 : i32
      %mul3A_106 = arith.constant 128 : i32
      %mul3A_107 = arith.muli %mul3A_106, %add3A_76 : i32
      %dma_wait3A = arith.constant 0 : i32
      %dma_wait3A_108 = arith.constant 0 : i32
      %dma_wait3A_109 = tpu.memref_slice %run_scoped3A_8[%rem3A_105, %dma_wait3A, %dma_wait3A_108] : memref<2x128x384xf32, #tpu.memory_space<vmem>> -> memref<1x128x384xf32, #tpu.memory_space<vmem>>
      %dma_wait3A_110 = tpu.memref_squeeze %dma_wait3A_109 : memref<1x128x384xf32, #tpu.memory_space<vmem>> -> memref<128x384xf32, #tpu.memory_space<vmem>>
      %dma_wait3A_111 = arith.constant 0 : i32
      %dma_wait3A_112 = tpu.memref_slice %arg4[%mul3A_107, %dma_wait3A_111] : memref<65536x384xf32, #tpu.memory_space<hbm>> -> memref<128x384xf32, #tpu.memory_space<hbm>>
      %dma_wait3A_113 = tpu.memref_slice %run_scoped3A_9[%rem3A_105] : memref<2x!tpu.dma_semaphore, #tpu.memory_space<semaphore_mem>> -> memref<1x!tpu.dma_semaphore, #tpu.memory_space<semaphore_mem>>
      %dma_wait3A_114 = tpu.memref_squeeze %dma_wait3A_113 : memref<1x!tpu.dma_semaphore, #tpu.memory_space<semaphore_mem>> -> memref<!tpu.dma_semaphore, #tpu.memory_space<semaphore_mem>>
      %dma_wait3A_115 = arith.constant 0 : i32
      %dma_wait3A_116 = tpu.memref_slice %arg4[%mul3A_107, %dma_wait3A_115] : memref<65536x384xf32, #tpu.memory_space<hbm>> -> memref<128x384xf32, #tpu.memory_space<hbm>>
      %dma_wait3A_117 = arith.constant 0 : i32
      %dma_wait3A_118 = arith.constant 0 : i32
      %dma_wait3A_119 = tpu.memref_slice %run_scoped3A_8[%rem3A_105, %dma_wait3A_117, %dma_wait3A_118] : memref<2x128x384xf32, #tpu.memory_space<vmem>> -> memref<1x128x384xf32, #tpu.memory_space<vmem>>
      %dma_wait3A_120 = tpu.memref_squeeze %dma_wait3A_119 : memref<1x128x384xf32, #tpu.memory_space<vmem>> -> memref<128x384xf32, #tpu.memory_space<vmem>>
      tpu.wait_dma2 semaphore(%dma_wait3A_114 : memref<!tpu.dma_semaphore, #tpu.memory_space<semaphore_mem>>) src(%dma_wait3A_120 : memref<128x384xf32, #tpu.memory_space<vmem>>) dst(%dma_wait3A_116 : memref<128x384xf32, #tpu.memory_space<hbm>>)
      "tpu.trace_stop"() : () -> ()
      tpu.yield
    }) : () -> ()
    return
  }
}

#map = affine_map<(d0, d1) -> (0, 0)>
module attributes {stable_mosaic.version = 14 : i64} {
  func.func @gather_kernel(%arg0: i32, %arg1: i32, %arg2: memref<16384x384xf32, #tpu.memory_space<hbm>>, %arg3: memref<1x65536xi32, #tpu.memory_space<hbm>>, %arg4: memref<65536x384xf32, #tpu.memory_space<hbm>>) attributes {dimension_semantics = [#tpu.dimension_semantics<core_parallel>, #tpu.dimension_semantics<subcore_parallel>], iteration_bounds = array<i64: 2, 16>, scalar_prefetch = 0 : i64, scratch_operands = 0 : i64, tpu.core_type = #tpu.core_type<sc_vector_subcore>, window_params = [{transform_indices = #map}, {transform_indices = #map}, {transform_indices = #map}]} {
    %mul3A = arith.constant 1 : i32
    %mul3A_0 = arith.muli %arg1, %mul3A : i32
    %add3A = arith.constant 0 : i32
    %add3A_1 = arith.addi %add3A, %mul3A_0 : i32
    %mul3A_2 = arith.constant 16 : i32
    %mul3A_3 = arith.muli %arg0, %mul3A_2 : i32
    %add3A_4 = arith.addi %add3A_1, %mul3A_3 : i32
    %mul3A_5 = arith.constant 16 : i32
    %mul3A_6 = arith.muli %add3A_4, %mul3A_5 : i32
    "tpu.region"() ({
      %run_scoped3A = memref.alloca() : memref<2x1x128xi32, #tpu.memory_space<vmem>>
      %run_scoped3A_7 = tpu.sem_alloc : memref<2x!tpu.dma_semaphore, #tpu.memory_space<semaphore_mem>>
      %run_scoped3A_8 = memref.alloca() : memref<2x128x384xf32, #tpu.memory_space<vmem>>
      %run_scoped3A_9 = tpu.sem_alloc : memref<2x!tpu.dma_semaphore, #tpu.memory_space<semaphore_mem>>
      %add3A_10 = arith.constant 0 : i32
      %add3A_11 = arith.addi %add3A_10, %mul3A_6 : i32
      %select_n3A = arith.constant true
      %select_n3A_12 = arith.constant 0 : i32
      %select_n3A_13 = arith.constant -1 : i32
      %select_n3A_14 = arith.select %select_n3A, %select_n3A_13, %select_n3A_12 : i32
      %eq3A = arith.constant -1 : i32
      %eq3A_15 = arith.cmpi eq, %select_n3A_14, %eq3A : i32
      %select_n3A_16 = arith.constant 15 : i32
      %select_n3A_17 = arith.select %eq3A_15, %select_n3A_16, %select_n3A_14 : i32
      %add3A_18 = arith.addi %select_n3A_17, %mul3A_6 : i32
      %select_n3A_19 = arith.constant true
      %select_n3A_20 = arith.constant 0 : i32
      %select_n3A_21 = arith.constant 1 : i32
      %select_n3A_22 = arith.select %select_n3A_19, %select_n3A_21, %select_n3A_20 : i32
      %eq3A_23 = arith.constant 16 : i32
      %eq3A_24 = arith.cmpi eq, %select_n3A_22, %eq3A_23 : i32
      %select_n3A_25 = arith.constant 0 : i32
      %select_n3A_26 = arith.select %eq3A_24, %select_n3A_25, %select_n3A_22 : i32
      %add3A_27 = arith.addi %select_n3A_26, %mul3A_6 : i32
      %add3A_28 = arith.constant 1 : i32
      %add3A_29 = arith.addi %select_n3A_26, %add3A_28 : i32
      %select_n3A_30 = arith.constant true
      %select_n3A_31 = arith.select %select_n3A_30, %add3A_29, %select_n3A_26 : i32
      %eq3A_32 = arith.constant 16 : i32
      %eq3A_33 = arith.cmpi eq, %select_n3A_31, %eq3A_32 : i32
      %select_n3A_34 = arith.constant 0 : i32
      %select_n3A_35 = arith.select %eq3A_33, %select_n3A_34, %select_n3A_31 : i32
      %add3A_36 = arith.addi %select_n3A_35, %mul3A_6 : i32
      "tpu.trace_start"() <{level = 10 : i32, message = "ep_initialize_0"}> : () -> ()
      %rem3A = arith.constant 0 : i32
      %rem3A_37 = arith.constant 2 : i32
      %rem3A_38 = arith.remui %rem3A, %rem3A_37 : i32
      %mul3A_39 = arith.constant 128 : i32
      %mul3A_40 = arith.muli %mul3A_39, %add3A_11 : i32
      %dma_start3A = arith.constant 0 : i32
      %dma_start3A_41 = arith.constant 0 : i32
      %dma_start3A_42 = tpu.memref_slice %run_scoped3A[%rem3A_38, %dma_start3A, %dma_start3A_41] : memref<2x1x128xi32, #tpu.memory_space<vmem>> -> memref<1x1x128xi32, #tpu.memory_space<vmem>>
      %dma_start3A_43 = tpu.memref_squeeze %dma_start3A_42 : memref<1x1x128xi32, #tpu.memory_space<vmem>> -> memref<1x128xi32, #tpu.memory_space<vmem>>
      %dma_start3A_44 = arith.constant 0 : i32
      %dma_start3A_45 = tpu.memref_slice %arg3[%dma_start3A_44, %mul3A_40] : memref<1x65536xi32, #tpu.memory_space<hbm>> -> memref<1x128xi32, #tpu.memory_space<hbm>>
      %dma_start3A_46 = tpu.memref_slice %run_scoped3A_7[%rem3A_38] : memref<2x!tpu.dma_semaphore, #tpu.memory_space<semaphore_mem>> -> memref<1x!tpu.dma_semaphore, #tpu.memory_space<semaphore_mem>>
      %dma_start3A_47 = tpu.memref_squeeze %dma_start3A_46 : memref<1x!tpu.dma_semaphore, #tpu.memory_space<semaphore_mem>> -> memref<!tpu.dma_semaphore, #tpu.memory_space<semaphore_mem>>
      %dma_start3A_48 = arith.constant 0 : i32
      %dma_start3A_49 = arith.constant 0 : i32
      %dma_start3A_50 = tpu.memref_slice %run_scoped3A[%rem3A_38, %dma_start3A_48, %dma_start3A_49] : memref<2x1x128xi32, #tpu.memory_space<vmem>> -> memref<1x1x128xi32, #tpu.memory_space<vmem>>
      %dma_start3A_51 = tpu.memref_squeeze %dma_start3A_50 : memref<1x1x128xi32, #tpu.memory_space<vmem>> -> memref<1x128xi32, #tpu.memory_space<vmem>>
      %dma_start3A_52 = arith.constant 0 : i32
      %dma_start3A_53 = tpu.memref_slice %arg3[%dma_start3A_52, %mul3A_40] : memref<1x65536xi32, #tpu.memory_space<hbm>> -> memref<1x128xi32, #tpu.memory_space<hbm>>
      tpu.enqueue_dma source(%dma_start3A_53 : memref<1x128xi32, #tpu.memory_space<hbm>>) target(%dma_start3A_51 : memref<1x128xi32, #tpu.memory_space<vmem>>) target_semaphore(%dma_start3A_47 : memref<!tpu.dma_semaphore, #tpu.memory_space<semaphore_mem>>)
      %add3A_54 = arith.constant 0 : i32
      %add3A_55 = arith.constant 1 : i32
      %add3A_56 = arith.addi %add3A_54, %add3A_55 : i32
      %select_n3A_57 = arith.constant true
      %select_n3A_58 = arith.constant 0 : i32
      %select_n3A_59 = arith.select %select_n3A_57, %add3A_56, %select_n3A_58 : i32
      "tpu.trace_stop"() : () -> ()
      %scan3A = arith.constant 0 : i32
      %scan3A_60 = arith.constant 0 : i32
      %scan3A_61 = arith.constant 0 : i32
      %scan3A_62 = arith.constant 0 : i32
      %scan3A_63 = arith.constant 0 : i32
      %scan3A_64 = arith.constant 16 : i32
      %scan3A_65 = arith.addi %scan3A_63, %scan3A_64 : i32
      %scan3A_66 = arith.constant 1 : i32
      %scan3A_67:5 = scf.for %scan3A_121 = %scan3A_63 to %scan3A_65 step %scan3A_66 iter_args(%scan3A_122 = %select_n3A_59, %scan3A_123 = %scan3A, %scan3A_124 = %scan3A_60, %scan3A_125 = %scan3A_61, %scan3A_126 = %scan3A_62) -> (i32, i32, i32, i32, i32)  : i32 {
        %eq3A_127 = arith.constant 0 : i32
        %eq3A_128 = arith.cmpi eq, %scan3A_121, %eq3A_127 : i32
        %eq3A_129 = arith.constant 15 : i32
        %eq3A_130 = arith.cmpi eq, %scan3A_121, %eq3A_129 : i32
        %add3A_131 = arith.addi %scan3A_126, %mul3A_6 : i32
        %sub3A_132 = arith.constant 1 : i32
        %sub3A_133 = arith.subi %scan3A_126, %sub3A_132 : i32
        %select_n3A_134 = arith.constant true
        %select_n3A_135 = arith.select %select_n3A_134, %sub3A_133, %scan3A_126 : i32
        %eq3A_136 = arith.constant -1 : i32
        %eq3A_137 = arith.cmpi eq, %select_n3A_135, %eq3A_136 : i32
        %select_n3A_138 = arith.constant 15 : i32
        %select_n3A_139 = arith.select %eq3A_137, %select_n3A_138, %select_n3A_135 : i32
        %add3A_140 = arith.addi %select_n3A_139, %mul3A_6 : i32
        %add3A_141 = arith.constant 1 : i32
        %add3A_142 = arith.addi %scan3A_126, %add3A_141 : i32
        %select_n3A_143 = arith.constant true
        %select_n3A_144 = arith.select %select_n3A_143, %add3A_142, %scan3A_126 : i32
        %eq3A_145 = arith.constant 16 : i32
        %eq3A_146 = arith.cmpi eq, %select_n3A_144, %eq3A_145 : i32
        %select_n3A_147 = arith.constant 0 : i32
        %select_n3A_148 = arith.select %eq3A_146, %select_n3A_147, %select_n3A_144 : i32
        %add3A_149 = arith.addi %select_n3A_148, %mul3A_6 : i32
        %add3A_150 = arith.constant 1 : i32
        %add3A_151 = arith.addi %select_n3A_148, %add3A_150 : i32
        %select_n3A_152 = arith.constant true
        %select_n3A_153 = arith.select %select_n3A_152, %add3A_151, %select_n3A_148 : i32
        %eq3A_154 = arith.constant 16 : i32
        %eq3A_155 = arith.cmpi eq, %select_n3A_153, %eq3A_154 : i32
        %select_n3A_156 = arith.constant 0 : i32
        %select_n3A_157 = arith.select %eq3A_155, %select_n3A_156, %select_n3A_153 : i32
        %add3A_158 = arith.addi %select_n3A_157, %mul3A_6 : i32
        %ne3A = arith.cmpi ne, %add3A_131, %add3A_149 : i32
        %or3A = arith.constant false
        %or3A_159 = arith.ori %or3A, %ne3A : i1
        %ge3A = arith.constant 15 : i32
        %ge3A_160 = arith.cmpi sge, %scan3A_121, %ge3A : i32
        %not3A = arith.constant true
        %not3A_161 = arith.xori %ge3A_160, %not3A : i1
        %and3A = arith.andi %or3A_159, %not3A_161 : i1
        %convert_element_type3A = arith.extui %and3A : i1 to i32
        %cond3A = arith.constant 0 : i32
        %cond3A_162 = arith.cmpi ne, %convert_element_type3A, %cond3A : i32
        scf.if %cond3A_162 {
          "tpu.trace_start"() <{level = 10 : i32, message = "ep_copy_in"}> : () -> ()
          %rem3A_264 = arith.constant 2 : i32
          %rem3A_265 = arith.remui %scan3A_122, %rem3A_264 : i32
          %mul3A_266 = arith.constant 128 : i32
          %mul3A_267 = arith.muli %mul3A_266, %add3A_149 : i32
          %dma_start3A_268 = arith.constant 0 : i32
          %dma_start3A_269 = arith.constant 0 : i32
          %dma_start3A_270 = tpu.memref_slice %run_scoped3A[%rem3A_265, %dma_start3A_268, %dma_start3A_269] : memref<2x1x128xi32, #tpu.memory_space<vmem>> -> memref<1x1x128xi32, #tpu.memory_space<vmem>>
          %dma_start3A_271 = tpu.memref_squeeze %dma_start3A_270 : memref<1x1x128xi32, #tpu.memory_space<vmem>> -> memref<1x128xi32, #tpu.memory_space<vmem>>
          %dma_start3A_272 = arith.constant 0 : i32
          %dma_start3A_273 = tpu.memref_slice %arg3[%dma_start3A_272, %mul3A_267] : memref<1x65536xi32, #tpu.memory_space<hbm>> -> memref<1x128xi32, #tpu.memory_space<hbm>>
          %dma_start3A_274 = tpu.memref_slice %run_scoped3A_7[%rem3A_265] : memref<2x!tpu.dma_semaphore, #tpu.memory_space<semaphore_mem>> -> memref<1x!tpu.dma_semaphore, #tpu.memory_space<semaphore_mem>>
          %dma_start3A_275 = tpu.memref_squeeze %dma_start3A_274 : memref<1x!tpu.dma_semaphore, #tpu.memory_space<semaphore_mem>> -> memref<!tpu.dma_semaphore, #tpu.memory_space<semaphore_mem>>
          %dma_start3A_276 = arith.constant 0 : i32
          %dma_start3A_277 = arith.constant 0 : i32
          %dma_start3A_278 = tpu.memref_slice %run_scoped3A[%rem3A_265, %dma_start3A_276, %dma_start3A_277] : memref<2x1x128xi32, #tpu.memory_space<vmem>> -> memref<1x1x128xi32, #tpu.memory_space<vmem>>
          %dma_start3A_279 = tpu.memref_squeeze %dma_start3A_278 : memref<1x1x128xi32, #tpu.memory_space<vmem>> -> memref<1x128xi32, #tpu.memory_space<vmem>>
          %dma_start3A_280 = arith.constant 0 : i32
          %dma_start3A_281 = tpu.memref_slice %arg3[%dma_start3A_280, %mul3A_267] : memref<1x65536xi32, #tpu.memory_space<hbm>> -> memref<1x128xi32, #tpu.memory_space<hbm>>
          tpu.enqueue_dma source(%dma_start3A_281 : memref<1x128xi32, #tpu.memory_space<hbm>>) target(%dma_start3A_279 : memref<1x128xi32, #tpu.memory_space<vmem>>) target_semaphore(%dma_start3A_275 : memref<!tpu.dma_semaphore, #tpu.memory_space<semaphore_mem>>)
          "tpu.trace_stop"() : () -> ()
        } else {
        }
        %and3A_163 = arith.constant true
        %and3A_164 = arith.andi %and3A, %and3A_163 : i1
        %add3A_165 = arith.constant 1 : i32
        %add3A_166 = arith.addi %scan3A_122, %add3A_165 : i32
        %select_n3A_167 = arith.select %and3A_164, %add3A_166, %scan3A_122 : i32
        %ne3A_168 = arith.cmpi ne, %add3A_131, %add3A_149 : i32
        %or3A_169 = arith.constant false
        %or3A_170 = arith.ori %or3A_169, %ne3A_168 : i1
        %or3A_171 = arith.constant false
        %or3A_172 = arith.ori %or3A_170, %or3A_171 : i1
        %ge3A_173 = arith.constant 15 : i32
        %ge3A_174 = arith.cmpi sge, %scan3A_121, %ge3A_173 : i32
        %not3A_175 = arith.constant true
        %not3A_176 = arith.xori %ge3A_174, %not3A_175 : i1
        %and3A_177 = arith.andi %or3A_172, %not3A_176 : i1
        %ne3A_178 = arith.cmpi ne, %add3A_131, %add3A_140 : i32
        %or3A_179 = arith.constant false
        %or3A_180 = arith.ori %or3A_179, %ne3A_178 : i1
        %or3A_181 = arith.ori %or3A_180, %eq3A_128 : i1
        %convert_element_type3A_182 = arith.extui %or3A_181 : i1 to i32
        %cond3A_183 = arith.constant 0 : i32
        %cond3A_184 = arith.cmpi ne, %convert_element_type3A_182, %cond3A_183 : i32
        scf.if %cond3A_184 {
          "tpu.trace_start"() <{level = 10 : i32, message = "ep_wait_in"}> : () -> ()
          %mul3A_264 = arith.constant 128 : i32
          %mul3A_265 = arith.muli %mul3A_264, %add3A_131 : i32
          %rem3A_266 = arith.constant 2 : i32
          %rem3A_267 = arith.remui %scan3A_123, %rem3A_266 : i32
          %dma_wait3A_268 = arith.constant 0 : i32
          %dma_wait3A_269 = arith.constant 0 : i32
          %dma_wait3A_270 = tpu.memref_slice %run_scoped3A[%rem3A_267, %dma_wait3A_268, %dma_wait3A_269] : memref<2x1x128xi32, #tpu.memory_space<vmem>> -> memref<1x1x128xi32, #tpu.memory_space<vmem>>
          %dma_wait3A_271 = tpu.memref_squeeze %dma_wait3A_270 : memref<1x1x128xi32, #tpu.memory_space<vmem>> -> memref<1x128xi32, #tpu.memory_space<vmem>>
          %dma_wait3A_272 = arith.constant 0 : i32
          %dma_wait3A_273 = tpu.memref_slice %arg3[%dma_wait3A_272, %mul3A_265] : memref<1x65536xi32, #tpu.memory_space<hbm>> -> memref<1x128xi32, #tpu.memory_space<hbm>>
          %dma_wait3A_274 = tpu.memref_slice %run_scoped3A_7[%rem3A_267] : memref<2x!tpu.dma_semaphore, #tpu.memory_space<semaphore_mem>> -> memref<1x!tpu.dma_semaphore, #tpu.memory_space<semaphore_mem>>
          %dma_wait3A_275 = tpu.memref_squeeze %dma_wait3A_274 : memref<1x!tpu.dma_semaphore, #tpu.memory_space<semaphore_mem>> -> memref<!tpu.dma_semaphore, #tpu.memory_space<semaphore_mem>>
          %dma_wait3A_276 = arith.constant 0 : i32
          %dma_wait3A_277 = arith.constant 0 : i32
          %dma_wait3A_278 = tpu.memref_slice %run_scoped3A[%rem3A_267, %dma_wait3A_276, %dma_wait3A_277] : memref<2x1x128xi32, #tpu.memory_space<vmem>> -> memref<1x1x128xi32, #tpu.memory_space<vmem>>
          %dma_wait3A_279 = tpu.memref_squeeze %dma_wait3A_278 : memref<1x1x128xi32, #tpu.memory_space<vmem>> -> memref<1x128xi32, #tpu.memory_space<vmem>>
          %dma_wait3A_280 = arith.constant 0 : i32
          %dma_wait3A_281 = tpu.memref_slice %arg3[%dma_wait3A_280, %mul3A_265] : memref<1x65536xi32, #tpu.memory_space<hbm>> -> memref<1x128xi32, #tpu.memory_space<hbm>>
          tpu.wait_dma2 semaphore(%dma_wait3A_275 : memref<!tpu.dma_semaphore, #tpu.memory_space<semaphore_mem>>) src(%dma_wait3A_281 : memref<1x128xi32, #tpu.memory_space<hbm>>) dst(%dma_wait3A_279 : memref<1x128xi32, #tpu.memory_space<vmem>>)
          "tpu.trace_stop"() : () -> ()
        } else {
        }
        %ne3A_185 = arith.cmpi ne, %add3A_131, %add3A_140 : i32
        %or3A_186 = arith.constant false
        %or3A_187 = arith.ori %or3A_186, %ne3A_185 : i1
        %or3A_188 = arith.constant false
        %or3A_189 = arith.ori %or3A_187, %or3A_188 : i1
        %or3A_190 = arith.ori %or3A_189, %eq3A_128 : i1
        %convert_element_type3A_191 = arith.extui %or3A_190 : i1 to i32
        %cond3A_192 = arith.constant 0 : i32
        %cond3A_193 = arith.cmpi ne, %convert_element_type3A_191, %cond3A_192 : i32
        scf.if %cond3A_193 {
        } else {
        }
        %rem3A_194 = arith.constant 2 : i32
        %rem3A_195 = arith.remui %scan3A_123, %rem3A_194 : i32
        %rem3A_196 = arith.constant 2 : i32
        %rem3A_197 = arith.remui %scan3A_124, %rem3A_196 : i32
        %run_scoped3A_198 = arith.constant 0 : i32
        "tpu.trace_start"() <{level = 10 : i32, message = "ep_run_kernel"}> : () -> ()
        "tpu.region"() ({
          %run_scoped3A_264 = tpu.sem_alloc : memref<!tpu.dma_semaphore, #tpu.memory_space<semaphore_mem>>
          %dma_start3A_265 = arith.constant 0 : i32
          %dma_start3A_266 = arith.constant 0 : i32
          %dma_start3A_267 = tpu.memref_slice %run_scoped3A_8[%rem3A_197, %dma_start3A_265, %dma_start3A_266] : memref<2x128x384xf32, #tpu.memory_space<vmem>> -> memref<1x128x384xf32, #tpu.memory_space<vmem>>
          %dma_start3A_268 = tpu.memref_squeeze %dma_start3A_267 : memref<1x128x384xf32, #tpu.memory_space<vmem>> -> memref<128x384xf32, #tpu.memory_space<vmem>>
          %dma_start3A_269 = arith.constant 0 : i32
          %dma_start3A_270 = arith.constant 0 : i32
          %dma_start3A_271 = tpu.memref_slice %run_scoped3A[%rem3A_195, %dma_start3A_269, %dma_start3A_270] : memref<2x1x128xi32, #tpu.memory_space<vmem>> -> memref<1x1x128xi32, #tpu.memory_space<vmem>>
          %dma_start3A_272 = tpu.memref_squeeze %dma_start3A_271 : memref<1x1x128xi32, #tpu.memory_space<vmem>> -> memref<1x128xi32, #tpu.memory_space<vmem>>
          %dma_start3A_273 = arith.constant 0 : i32
          %dma_start3A_274 = tpu.memref_slice %dma_start3A_272[%run_scoped3A_198, %dma_start3A_273] : memref<1x128xi32, #tpu.memory_space<vmem>> -> memref<1x128xi32, #tpu.memory_space<vmem>>
          %dma_start3A_275 = tpu.memref_squeeze %dma_start3A_274 : memref<1x128xi32, #tpu.memory_space<vmem>> -> memref<128xi32, #tpu.memory_space<vmem>>
          %dma_start3A_276 = arith.constant 0 : i32
          %dma_start3A_277 = arith.constant 0 : i32
          %dma_start3A_278 = tpu.memref_slice %arg2[%dma_start3A_276, %dma_start3A_277] : memref<16384x384xf32, #tpu.memory_space<hbm>> -> memref<16384x384xf32, #tpu.memory_space<hbm>>
          tpu.enqueue_indirect_dma source(%dma_start3A_278 : memref<16384x384xf32, #tpu.memory_space<hbm>>) target(%dma_start3A_268 : memref<128x384xf32, #tpu.memory_space<vmem>>) offsets(%dma_start3A_275 : memref<128xi32, #tpu.memory_space<vmem>>) semaphore(%run_scoped3A_264 : memref<!tpu.dma_semaphore, #tpu.memory_space<semaphore_mem>>)
          %dma_wait3A_279 = arith.constant 0 : i32
          %dma_wait3A_280 = arith.constant 0 : i32
          %dma_wait3A_281 = tpu.memref_slice %run_scoped3A_8[%rem3A_197, %dma_wait3A_279, %dma_wait3A_280] : memref<2x128x384xf32, #tpu.memory_space<vmem>> -> memref<1x128x384xf32, #tpu.memory_space<vmem>>
          %dma_wait3A_282 = tpu.memref_squeeze %dma_wait3A_281 : memref<1x128x384xf32, #tpu.memory_space<vmem>> -> memref<128x384xf32, #tpu.memory_space<vmem>>
          %dma_wait3A_283 = arith.constant 0 : i32
          %dma_wait3A_284 = arith.constant 0 : i32
          %dma_wait3A_285 = tpu.memref_slice %run_scoped3A[%rem3A_195, %dma_wait3A_283, %dma_wait3A_284] : memref<2x1x128xi32, #tpu.memory_space<vmem>> -> memref<1x1x128xi32, #tpu.memory_space<vmem>>
          %dma_wait3A_286 = tpu.memref_squeeze %dma_wait3A_285 : memref<1x1x128xi32, #tpu.memory_space<vmem>> -> memref<1x128xi32, #tpu.memory_space<vmem>>
          %dma_wait3A_287 = arith.constant 0 : i32
          %dma_wait3A_288 = tpu.memref_slice %dma_wait3A_286[%run_scoped3A_198, %dma_wait3A_287] : memref<1x128xi32, #tpu.memory_space<vmem>> -> memref<1x128xi32, #tpu.memory_space<vmem>>
          %dma_wait3A_289 = tpu.memref_squeeze %dma_wait3A_288 : memref<1x128xi32, #tpu.memory_space<vmem>> -> memref<128xi32, #tpu.memory_space<vmem>>
          %dma_wait3A_290 = arith.constant 0 : i32
          %dma_wait3A_291 = arith.constant 0 : i32
          %dma_wait3A_292 = tpu.memref_slice %arg2[%dma_wait3A_290, %dma_wait3A_291] : memref<16384x384xf32, #tpu.memory_space<hbm>> -> memref<16384x384xf32, #tpu.memory_space<hbm>>
          tpu.wait_indirect_dma semaphore(%run_scoped3A_264 : memref<!tpu.dma_semaphore, #tpu.memory_space<semaphore_mem>>) src(%dma_wait3A_292 : memref<16384x384xf32, #tpu.memory_space<hbm>>) dst(%dma_wait3A_282 : memref<128x384xf32, #tpu.memory_space<vmem>>)
          tpu.yield
        }) : () -> ()
        "tpu.trace_stop"() : () -> ()
        %ne3A_199 = arith.cmpi ne, %add3A_131, %add3A_149 : i32
        %or3A_200 = arith.constant false
        %or3A_201 = arith.ori %or3A_200, %ne3A_199 : i1
        %or3A_202 = arith.ori %or3A_201, %eq3A_130 : i1
        %convert_element_type3A_203 = arith.extui %or3A_202 : i1 to i32
        %cond3A_204 = arith.constant 0 : i32
        %cond3A_205 = arith.cmpi ne, %convert_element_type3A_203, %cond3A_204 : i32
        scf.if %cond3A_205 {
        } else {
        }
        %and3A_206 = arith.constant false
        %and3A_207 = arith.andi %or3A_202, %and3A_206 : i1
        %ne3A_208 = arith.cmpi ne, %add3A_131, %add3A_149 : i32
        %or3A_209 = arith.constant false
        %or3A_210 = arith.ori %or3A_209, %ne3A_208 : i1
        %or3A_211 = arith.constant false
        %or3A_212 = arith.ori %or3A_210, %or3A_211 : i1
        %or3A_213 = arith.ori %or3A_212, %eq3A_130 : i1
        %convert_element_type3A_214 = arith.extui %or3A_213 : i1 to i32
        %cond3A_215 = arith.constant 0 : i32
        %cond3A_216 = arith.cmpi ne, %convert_element_type3A_214, %cond3A_215 : i32
        scf.if %cond3A_216 {
          "tpu.trace_start"() <{level = 10 : i32, message = "ep_copy_out"}> : () -> ()
          %rem3A_264 = arith.constant 2 : i32
          %rem3A_265 = arith.remui %scan3A_124, %rem3A_264 : i32
          %mul3A_266 = arith.constant 128 : i32
          %mul3A_267 = arith.muli %mul3A_266, %add3A_131 : i32
          %dma_start3A_268 = arith.constant 0 : i32
          %dma_start3A_269 = arith.constant 0 : i32
          %dma_start3A_270 = tpu.memref_slice %run_scoped3A_8[%rem3A_265, %dma_start3A_268, %dma_start3A_269] : memref<2x128x384xf32, #tpu.memory_space<vmem>> -> memref<1x128x384xf32, #tpu.memory_space<vmem>>
          %dma_start3A_271 = tpu.memref_squeeze %dma_start3A_270 : memref<1x128x384xf32, #tpu.memory_space<vmem>> -> memref<128x384xf32, #tpu.memory_space<vmem>>
          %dma_start3A_272 = arith.constant 0 : i32
          %dma_start3A_273 = tpu.memref_slice %arg4[%mul3A_267, %dma_start3A_272] : memref<65536x384xf32, #tpu.memory_space<hbm>> -> memref<128x384xf32, #tpu.memory_space<hbm>>
          %dma_start3A_274 = tpu.memref_slice %run_scoped3A_9[%rem3A_265] : memref<2x!tpu.dma_semaphore, #tpu.memory_space<semaphore_mem>> -> memref<1x!tpu.dma_semaphore, #tpu.memory_space<semaphore_mem>>
          %dma_start3A_275 = tpu.memref_squeeze %dma_start3A_274 : memref<1x!tpu.dma_semaphore, #tpu.memory_space<semaphore_mem>> -> memref<!tpu.dma_semaphore, #tpu.memory_space<semaphore_mem>>
          %dma_start3A_276 = arith.constant 0 : i32
          %dma_start3A_277 = tpu.memref_slice %arg4[%mul3A_267, %dma_start3A_276] : memref<65536x384xf32, #tpu.memory_space<hbm>> -> memref<128x384xf32, #tpu.memory_space<hbm>>
          %dma_start3A_278 = arith.constant 0 : i32
          %dma_start3A_279 = arith.constant 0 : i32
          %dma_start3A_280 = tpu.memref_slice %run_scoped3A_8[%rem3A_265, %dma_start3A_278, %dma_start3A_279] : memref<2x128x384xf32, #tpu.memory_space<vmem>> -> memref<1x128x384xf32, #tpu.memory_space<vmem>>
          %dma_start3A_281 = tpu.memref_squeeze %dma_start3A_280 : memref<1x128x384xf32, #tpu.memory_space<vmem>> -> memref<128x384xf32, #tpu.memory_space<vmem>>
          tpu.enqueue_dma source(%dma_start3A_281 : memref<128x384xf32, #tpu.memory_space<vmem>>) target(%dma_start3A_277 : memref<128x384xf32, #tpu.memory_space<hbm>>) target_semaphore(%dma_start3A_275 : memref<!tpu.dma_semaphore, #tpu.memory_space<semaphore_mem>>)
          "tpu.trace_stop"() : () -> ()
        } else {
        }
        %and3A_217 = arith.constant true
        %and3A_218 = arith.andi %or3A_213, %and3A_217 : i1
        %add3A_219 = arith.constant 1 : i32
        %add3A_220 = arith.addi %scan3A_124, %add3A_219 : i32
        %select_n3A_221 = arith.select %and3A_218, %add3A_220, %scan3A_124 : i32
        %ne3A_222 = arith.cmpi ne, %add3A_131, %add3A_140 : i32
        %or3A_223 = arith.constant false
        %or3A_224 = arith.ori %or3A_223, %ne3A_222 : i1
        %not3A_225 = arith.constant true
        %not3A_226 = arith.xori %eq3A_128, %not3A_225 : i1
        %and3A_227 = arith.andi %or3A_224, %not3A_226 : i1
        %convert_element_type3A_228 = arith.extui %and3A_227 : i1 to i32
        %cond3A_229 = arith.constant 0 : i32
        %cond3A_230 = arith.cmpi ne, %convert_element_type3A_228, %cond3A_229 : i32
        scf.if %cond3A_230 {
        } else {
        }
        %and3A_231 = arith.constant false
        %and3A_232 = arith.andi %and3A_227, %and3A_231 : i1
        %ne3A_233 = arith.cmpi ne, %add3A_131, %add3A_140 : i32
        %or3A_234 = arith.constant false
        %or3A_235 = arith.ori %or3A_234, %ne3A_233 : i1
        %or3A_236 = arith.constant false
        %or3A_237 = arith.ori %or3A_235, %or3A_236 : i1
        %not3A_238 = arith.constant true
        %not3A_239 = arith.xori %eq3A_128, %not3A_238 : i1
        %and3A_240 = arith.andi %or3A_237, %not3A_239 : i1
        %convert_element_type3A_241 = arith.extui %and3A_240 : i1 to i32
        %cond3A_242 = arith.constant 0 : i32
        %cond3A_243 = arith.cmpi ne, %convert_element_type3A_241, %cond3A_242 : i32
        scf.if %cond3A_243 {
          "tpu.trace_start"() <{level = 10 : i32, message = "ep_wait_out"}> : () -> ()
          %rem3A_264 = arith.constant 2 : i32
          %rem3A_265 = arith.remui %scan3A_125, %rem3A_264 : i32
          %mul3A_266 = arith.constant 128 : i32
          %mul3A_267 = arith.muli %mul3A_266, %add3A_140 : i32
          %dma_wait3A_268 = arith.constant 0 : i32
          %dma_wait3A_269 = arith.constant 0 : i32
          %dma_wait3A_270 = tpu.memref_slice %run_scoped3A_8[%rem3A_265, %dma_wait3A_268, %dma_wait3A_269] : memref<2x128x384xf32, #tpu.memory_space<vmem>> -> memref<1x128x384xf32, #tpu.memory_space<vmem>>
          %dma_wait3A_271 = tpu.memref_squeeze %dma_wait3A_270 : memref<1x128x384xf32, #tpu.memory_space<vmem>> -> memref<128x384xf32, #tpu.memory_space<vmem>>
          %dma_wait3A_272 = arith.constant 0 : i32
          %dma_wait3A_273 = tpu.memref_slice %arg4[%mul3A_267, %dma_wait3A_272] : memref<65536x384xf32, #tpu.memory_space<hbm>> -> memref<128x384xf32, #tpu.memory_space<hbm>>
          %dma_wait3A_274 = tpu.memref_slice %run_scoped3A_9[%rem3A_265] : memref<2x!tpu.dma_semaphore, #tpu.memory_space<semaphore_mem>> -> memref<1x!tpu.dma_semaphore, #tpu.memory_space<semaphore_mem>>
          %dma_wait3A_275 = tpu.memref_squeeze %dma_wait3A_274 : memref<1x!tpu.dma_semaphore, #tpu.memory_space<semaphore_mem>> -> memref<!tpu.dma_semaphore, #tpu.memory_space<semaphore_mem>>
          %dma_wait3A_276 = arith.constant 0 : i32
          %dma_wait3A_277 = tpu.memref_slice %arg4[%mul3A_267, %dma_wait3A_276] : memref<65536x384xf32, #tpu.memory_space<hbm>> -> memref<128x384xf32, #tpu.memory_space<hbm>>
          %dma_wait3A_278 = arith.constant 0 : i32
          %dma_wait3A_279 = arith.constant 0 : i32
          %dma_wait3A_280 = tpu.memref_slice %run_scoped3A_8[%rem3A_265, %dma_wait3A_278, %dma_wait3A_279] : memref<2x128x384xf32, #tpu.memory_space<vmem>> -> memref<1x128x384xf32, #tpu.memory_space<vmem>>
          %dma_wait3A_281 = tpu.memref_squeeze %dma_wait3A_280 : memref<1x128x384xf32, #tpu.memory_space<vmem>> -> memref<128x384xf32, #tpu.memory_space<vmem>>
          tpu.wait_dma2 semaphore(%dma_wait3A_275 : memref<!tpu.dma_semaphore, #tpu.memory_space<semaphore_mem>>) src(%dma_wait3A_281 : memref<128x384xf32, #tpu.memory_space<vmem>>) dst(%dma_wait3A_277 : memref<128x384xf32, #tpu.memory_space<hbm>>)
          "tpu.trace_stop"() : () -> ()
        } else {
        }
        %and3A_244 = arith.constant true
        %and3A_245 = arith.andi %and3A_240, %and3A_244 : i1
        %add3A_246 = arith.constant 1 : i32
        %add3A_247 = arith.addi %scan3A_125, %add3A_246 : i32
        %select_n3A_248 = arith.select %and3A_245, %add3A_247, %scan3A_125 : i32
        %ne3A_249 = arith.cmpi ne, %add3A_131, %add3A_149 : i32
        %or3A_250 = arith.constant false
        %or3A_251 = arith.ori %or3A_250, %ne3A_249 : i1
        %or3A_252 = arith.ori %or3A_251, %eq3A_130 : i1
        %add3A_253 = arith.constant 1 : i32
        %add3A_254 = arith.addi %scan3A_123, %add3A_253 : i32
        %select_n3A_255 = arith.select %or3A_252, %add3A_254, %scan3A_123 : i32
        %add3A_256 = arith.constant 1 : i32
        %add3A_257 = arith.addi %scan3A_126, %add3A_256 : i32
        %select_n3A_258 = arith.constant true
        %select_n3A_259 = arith.select %select_n3A_258, %add3A_257, %scan3A_126 : i32
        %eq3A_260 = arith.constant 16 : i32
        %eq3A_261 = arith.cmpi eq, %select_n3A_259, %eq3A_260 : i32
        %select_n3A_262 = arith.constant 0 : i32
        %select_n3A_263 = arith.select %eq3A_261, %select_n3A_262, %select_n3A_259 : i32
        scf.yield %select_n3A_167, %select_n3A_255, %select_n3A_221, %select_n3A_248, %select_n3A_263 : i32, i32, i32, i32, i32
      }
      %scan3A_68 = arith.constant 16 : i32
      %sub3A = arith.constant 1 : i32
      %sub3A_69 = arith.subi %scan3A_67#4, %sub3A : i32
      %select_n3A_70 = arith.constant true
      %select_n3A_71 = arith.select %select_n3A_70, %sub3A_69, %scan3A_67#4 : i32
      %eq3A_72 = arith.constant -1 : i32
      %eq3A_73 = arith.cmpi eq, %select_n3A_71, %eq3A_72 : i32
      %select_n3A_74 = arith.constant 15 : i32
      %select_n3A_75 = arith.select %eq3A_73, %select_n3A_74, %select_n3A_71 : i32
      %add3A_76 = arith.addi %select_n3A_75, %mul3A_6 : i32
      %sub3A_77 = arith.constant 1 : i32
      %sub3A_78 = arith.subi %select_n3A_75, %sub3A_77 : i32
      %select_n3A_79 = arith.constant true
      %select_n3A_80 = arith.select %select_n3A_79, %sub3A_78, %select_n3A_75 : i32
      %eq3A_81 = arith.constant -1 : i32
      %eq3A_82 = arith.cmpi eq, %select_n3A_80, %eq3A_81 : i32
      %select_n3A_83 = arith.constant 15 : i32
      %select_n3A_84 = arith.select %eq3A_82, %select_n3A_83, %select_n3A_80 : i32
      %add3A_85 = arith.addi %select_n3A_84, %mul3A_6 : i32
      %add3A_86 = arith.constant 1 : i32
      %add3A_87 = arith.addi %select_n3A_75, %add3A_86 : i32
      %select_n3A_88 = arith.constant true
      %select_n3A_89 = arith.select %select_n3A_88, %add3A_87, %select_n3A_75 : i32
      %eq3A_90 = arith.constant 16 : i32
      %eq3A_91 = arith.cmpi eq, %select_n3A_89, %eq3A_90 : i32
      %select_n3A_92 = arith.constant 0 : i32
      %select_n3A_93 = arith.select %eq3A_91, %select_n3A_92, %select_n3A_89 : i32
      %add3A_94 = arith.addi %select_n3A_93, %mul3A_6 : i32
      %add3A_95 = arith.constant 1 : i32
      %add3A_96 = arith.addi %select_n3A_93, %add3A_95 : i32
      %select_n3A_97 = arith.constant true
      %select_n3A_98 = arith.select %select_n3A_97, %add3A_96, %select_n3A_93 : i32
      %eq3A_99 = arith.constant 16 : i32
      %eq3A_100 = arith.cmpi eq, %select_n3A_98, %eq3A_99 : i32
      %select_n3A_101 = arith.constant 0 : i32
      %select_n3A_102 = arith.select %eq3A_100, %select_n3A_101, %select_n3A_98 : i32
      %add3A_103 = arith.addi %select_n3A_102, %mul3A_6 : i32
      "tpu.trace_start"() <{level = 10 : i32, message = "ep_finalize"}> : () -> ()
      %rem3A_104 = arith.constant 2 : i32
      %rem3A_105 = arith.remui %scan3A_67#3, %rem3A_104 : i32
      %mul3A_106 = arith.constant 128 : i32
      %mul3A_107 = arith.muli %mul3A_106, %add3A_76 : i32
      %dma_wait3A = arith.constant 0 : i32
      %dma_wait3A_108 = arith.constant 0 : i32
      %dma_wait3A_109 = tpu.memref_slice %run_scoped3A_8[%rem3A_105, %dma_wait3A, %dma_wait3A_108] : memref<2x128x384xf32, #tpu.memory_space<vmem>> -> memref<1x128x384xf32, #tpu.memory_space<vmem>>
      %dma_wait3A_110 = tpu.memref_squeeze %dma_wait3A_109 : memref<1x128x384xf32, #tpu.memory_space<vmem>> -> memref<128x384xf32, #tpu.memory_space<vmem>>
      %dma_wait3A_111 = arith.constant 0 : i32
      %dma_wait3A_112 = tpu.memref_slice %arg4[%mul3A_107, %dma_wait3A_111] : memref<65536x384xf32, #tpu.memory_space<hbm>> -> memref<128x384xf32, #tpu.memory_space<hbm>>
      %dma_wait3A_113 = tpu.memref_slice %run_scoped3A_9[%rem3A_105] : memref<2x!tpu.dma_semaphore, #tpu.memory_space<semaphore_mem>> -> memref<1x!tpu.dma_semaphore, #tpu.memory_space<semaphore_mem>>
      %dma_wait3A_114 = tpu.memref_squeeze %dma_wait3A_113 : memref<1x!tpu.dma_semaphore, #tpu.memory_space<semaphore_mem>> -> memref<!tpu.dma_semaphore, #tpu.memory_space<semaphore_mem>>
      %dma_wait3A_115 = arith.constant 0 : i32
      %dma_wait3A_116 = tpu.memref_slice %arg4[%mul3A_107, %dma_wait3A_115] : memref<65536x384xf32, #tpu.memory_space<hbm>> -> memref<128x384xf32, #tpu.memory_space<hbm>>
      %dma_wait3A_117 = arith.constant 0 : i32
      %dma_wait3A_118 = arith.constant 0 : i32
      %dma_wait3A_119 = tpu.memref_slice %run_scoped3A_8[%rem3A_105, %dma_wait3A_117, %dma_wait3A_118] : memref<2x128x384xf32, #tpu.memory_space<vmem>> -> memref<1x128x384xf32, #tpu.memory_space<vmem>>
      %dma_wait3A_120 = tpu.memref_squeeze %dma_wait3A_119 : memref<1x128x384xf32, #tpu.memory_space<vmem>> -> memref<128x384xf32, #tpu.memory_space<vmem>>
      tpu.wait_dma2 semaphore(%dma_wait3A_114 : memref<!tpu.dma_semaphore, #tpu.memory_space<semaphore_mem>>) src(%dma_wait3A_120 : memref<128x384xf32, #tpu.memory_space<vmem>>) dst(%dma_wait3A_116 : memref<128x384xf32, #tpu.memory_space<hbm>>)
      "tpu.trace_stop"() : () -> ()
      tpu.yield
    }) : () -> ()
    return
  }
}

module attributes {stable_mosaic.version = 14 : i64} {
  func.func @_k0_body(%arg0: i32, %arg1: memref<2048x8xf32, #tpu.memory_space<vmem>>, %arg2: memref<2048x64xf32, #tpu.memory_space<vmem>>, %arg3: memref<2048x1xf32, #tpu.memory_space<vmem>>, %arg4: memref<2048x1xf32, #tpu.memory_space<vmem>>) attributes {dimension_semantics = [#tpu.dimension_semantics<arbitrary>], iteration_bounds = array<i64: 8>, scalar_prefetch = 0 : i64, scratch_operands = 0 : i64, tpu.core_type = #tpu.core_type<tc>, window_params = [{transform_indices = @transform_0, window_bounds = array<i64: 2048, 8>}, {transform_indices = @transform_1, window_bounds = array<i64: 2048, 64>}, {transform_indices = @transform_2, window_bounds = array<i64: 2048, 1>}, {transform_indices = @transform_3, window_bounds = array<i64: 2048, 1>}]} {
    %get3A = arith.constant 0 : index
    %get3A_0 = arith.constant 0 : index
    %get3A_1 = vector.load %arg1[%get3A, %get3A_0] : memref<2048x8xf32, #tpu.memory_space<vmem>>, vector<2048x8xf32>
    %get3A_2 = arith.constant 0 : index
    %get3A_3 = arith.constant 0 : index
    %get3A_4 = vector.load %arg2[%get3A_2, %get3A_3] : memref<2048x64xf32, #tpu.memory_space<vmem>>, vector<2048x64xf32>
    %cos3A = math.cos %get3A_1 : vector<2048x8xf32>
    %reduce_sum3A = arith.constant dense<0.000000e+00> : vector<2048xf32>
    %reduce_sum3A_5 = vector.multi_reduction <add>, %cos3A, %reduce_sum3A [1] : vector<2048x8xf32> to vector<2048xf32>
    %broadcast_in_dim3A = vector.shape_cast %reduce_sum3A_5 : vector<2048xf32> to vector<2048x1xf32>
    %div3A = arith.constant 8.000000e+00 : f32
    %div3A_6 = vector.broadcast %div3A : f32 to vector<2048x1xf32>
    %div3A_7 = arith.divf %broadcast_in_dim3A, %div3A_6 : vector<2048x1xf32>
    %swap3A = arith.constant 0 : index
    %swap3A_8 = arith.constant 0 : index
    %swap3A_9 = vector.load %arg3[%swap3A, %swap3A_8] : memref<2048x1xf32, #tpu.memory_space<vmem>>, vector<2048x1xf32>
    tpu.vector_store %arg3[%swap3A, %swap3A_8], %div3A_7 {strides = array<i32>} : memref<2048x1xf32, #tpu.memory_space<vmem>>, vector<2048x1xf32>,
    %mul3A = arith.mulf %get3A_4, %get3A_4 : vector<2048x64xf32>
    %reduce_sum3A_10 = arith.constant dense<0.000000e+00> : vector<2048xf32>
    %reduce_sum3A_11 = vector.multi_reduction <add>, %mul3A, %reduce_sum3A_10 [1] : vector<2048x64xf32> to vector<2048xf32>
    %broadcast_in_dim3A_12 = vector.shape_cast %reduce_sum3A_11 : vector<2048xf32> to vector<2048x1xf32>
    %swap3A_13 = arith.constant 0 : index
    %swap3A_14 = arith.constant 0 : index
    %swap3A_15 = vector.load %arg4[%swap3A_13, %swap3A_14] : memref<2048x1xf32, #tpu.memory_space<vmem>>, vector<2048x1xf32>
    tpu.vector_store %arg4[%swap3A_13, %swap3A_14], %broadcast_in_dim3A_12 {strides = array<i32>} : memref<2048x1xf32, #tpu.memory_space<vmem>>, vector<2048x1xf32>,
    return
  }
  func.func @transform_0(%arg0: i32) -> (i32, i32) {
    %c0_i32 = arith.constant 0 : i32
    %c0_i32_0 = arith.constant 0 : i32
    return %arg0, %c0_i32 : i32, i32
  }
  func.func @transform_1(%arg0: i32) -> (i32, i32) {
    %c0_i32 = arith.constant 0 : i32
    %c0_i32_0 = arith.constant 0 : i32
    return %arg0, %c0_i32 : i32, i32
  }
  func.func @transform_2(%arg0: i32) -> (i32, i32) {
    %c0_i32 = arith.constant 0 : i32
    %c0_i32_0 = arith.constant 0 : i32
    return %arg0, %c0_i32 : i32, i32
  }
  func.func @transform_3(%arg0: i32) -> (i32, i32) {
    %c0_i32 = arith.constant 0 : i32
    %c0_i32_0 = arith.constant 0 : i32
    return %arg0, %c0_i32 : i32, i32
  }
}

module attributes {stable_mosaic.version = 14 : i64} {
  func.func @_k1_body(%arg0: i32, %arg1: memref<256x1024xf32, #tpu.memory_space<vmem>>, %arg2: memref<192x1024xf32, #tpu.memory_space<vmem>>, %arg3: memref<1x192xf32, #tpu.memory_space<vmem>>, %arg4: memref<1x192xf32, #tpu.memory_space<vmem>>, %arg5: memref<1x192xf32, #tpu.memory_space<vmem>>, %arg6: memref<64x64xf32, #tpu.memory_space<vmem>>, %arg7: memref<256x1024xf32, #tpu.memory_space<vmem>>, %arg8: memref<1x256xf32, #tpu.memory_space<vmem>>, %arg9: memref<256x64xf32, #tpu.memory_space<vmem>>, %arg10: memref<256x256xf32, #tpu.memory_space<vmem>>, %arg11: memref<256x256xf32, #tpu.memory_space<vmem>>) attributes {dimension_semantics = [#tpu.dimension_semantics<arbitrary>], iteration_bounds = array<i64: 8>, scalar_prefetch = 0 : i64, scratch_operands = 0 : i64, tpu.core_type = #tpu.core_type<tc>, window_params = [{transform_indices = @transform_0, window_bounds = array<i64: 256, 1024>}, {pipeline_mode = #tpu.pipeline_mode<synchronous>, transform_indices = @transform_1, window_bounds = array<i64: 192, 1024>}, {pipeline_mode = #tpu.pipeline_mode<synchronous>, transform_indices = @transform_2, window_bounds = array<i64: 1, 192>}, {pipeline_mode = #tpu.pipeline_mode<synchronous>, transform_indices = @transform_3, window_bounds = array<i64: 1, 192>}, {pipeline_mode = #tpu.pipeline_mode<synchronous>, transform_indices = @transform_4, window_bounds = array<i64: 1, 192>}, {pipeline_mode = #tpu.pipeline_mode<synchronous>, transform_indices = @transform_5, window_bounds = array<i64: 64, 64>}, {pipeline_mode = #tpu.pipeline_mode<synchronous>, transform_indices = @transform_6, window_bounds = array<i64: 256, 1024>}, {pipeline_mode = #tpu.pipeline_mode<synchronous>, transform_indices = @transform_7, window_bounds = array<i64: 1, 256>}, {transform_indices = @transform_8, window_bounds = array<i64: 256, 64>}, {transform_indices = @transform_9, window_bounds = array<i64: 256, 256>}, {transform_indices = @transform_10, window_bounds = array<i64: 256, 256>}]} {
    %get3A = arith.constant 0 : index
    %get3A_0 = arith.constant 0 : index
    %get3A_1 = vector.load %arg1[%get3A, %get3A_0] : memref<256x1024xf32, #tpu.memory_space<vmem>>, vector<256x1024xf32>
    %get3A_2 = arith.constant 0 : index
    %get3A_3 = arith.constant 0 : index
    %get3A_4 = vector.load %arg2[%get3A_2, %get3A_3] : memref<192x1024xf32, #tpu.memory_space<vmem>>, vector<192x1024xf32>
    %dot_general3A = arith.constant dense<0.000000e+00> : vector<256x192xf32>
    %dot_general3A_5 = tpu.matmul %get3A_1, %get3A_4, %dot_general3A {dimension_numbers = #tpu.dot_dimension_numbers<[1], [1], [0], [0], [0, 0, 1, 0], [], []>, precision = #tpu.contract_precision<fp32>, transpose_lhs_hint = false} : vector<256x1024xf32>, vector<192x1024xf32>, vector<256x192xf32> -> vector<256x192xf32>
    %get3A_6 = arith.constant 0 : index
    %get3A_7 = arith.constant 0 : index
    %get3A_8 = vector.load %arg3[%get3A_6, %get3A_7] : memref<1x192xf32, #tpu.memory_space<vmem>>, vector<1x192xf32>
    %add3A = vector.broadcast %get3A_8 : vector<1x192xf32> to vector<256x192xf32>
    %add3A_9 = arith.addf %dot_general3A_5, %add3A : vector<256x192xf32>
    %get3A_10 = arith.constant 0 : index
    %get3A_11 = arith.constant 0 : index
    %get3A_12 = vector.load %arg4[%get3A_10, %get3A_11] : memref<1x192xf32, #tpu.memory_space<vmem>>, vector<1x192xf32>
    %get3A_13 = arith.constant 0 : index
    %get3A_14 = arith.constant 0 : index
    %get3A_15 = vector.load %arg5[%get3A_13, %get3A_14] : memref<1x192xf32, #tpu.memory_space<vmem>>, vector<1x192xf32>
    %reduce_sum3A = arith.constant dense<0.000000e+00> : vector<256xf32>
    %reduce_sum3A_16 = vector.multi_reduction <add>, %add3A_9, %reduce_sum3A [1] : vector<256x192xf32> to vector<256xf32>
    %broadcast_in_dim3A = vector.shape_cast %reduce_sum3A_16 : vector<256xf32> to vector<256x1xf32>
    %div3A = arith.constant 1.920000e+02 : f32
    %div3A_17 = vector.broadcast %div3A : f32 to vector<256x1xf32>
    %div3A_18 = arith.divf %broadcast_in_dim3A, %div3A_17 : vector<256x1xf32>
    %sub3A = vector.broadcast %div3A_18 : vector<256x1xf32> to vector<256x192xf32>
    %sub3A_19 = arith.subf %add3A_9, %sub3A : vector<256x192xf32>
    %integer_pow3A = arith.mulf %sub3A_19, %sub3A_19 : vector<256x192xf32>
    %reduce_sum3A_20 = arith.constant dense<0.000000e+00> : vector<256xf32>
    %reduce_sum3A_21 = vector.multi_reduction <add>, %integer_pow3A, %reduce_sum3A_20 [1] : vector<256x192xf32> to vector<256xf32>
    %broadcast_in_dim3A_22 = vector.shape_cast %reduce_sum3A_21 : vector<256xf32> to vector<256x1xf32>
    %div3A_23 = arith.constant 1.920000e+02 : f32
    %div3A_24 = vector.broadcast %div3A_23 : f32 to vector<256x1xf32>
    %div3A_25 = arith.divf %broadcast_in_dim3A_22, %div3A_24 : vector<256x1xf32>
    %sub3A_26 = vector.broadcast %div3A_18 : vector<256x1xf32> to vector<256x192xf32>
    %sub3A_27 = arith.subf %add3A_9, %sub3A_26 : vector<256x192xf32>
    %add3A_28 = arith.constant 9.99999974E-6 : f32
    %add3A_29 = vector.broadcast %add3A_28 : f32 to vector<256x1xf32>
    %add3A_30 = arith.addf %div3A_25, %add3A_29 : vector<256x1xf32>
    %rsqrt3A = math.rsqrt %add3A_30 : vector<256x1xf32>
    %mul3A = vector.broadcast %rsqrt3A : vector<256x1xf32> to vector<256x192xf32>
    %mul3A_31 = arith.mulf %sub3A_27, %mul3A : vector<256x192xf32>
    %mul3A_32 = vector.broadcast %get3A_12 : vector<1x192xf32> to vector<256x192xf32>
    %mul3A_33 = arith.mulf %mul3A_31, %mul3A_32 : vector<256x192xf32>
    %add3A_34 = vector.broadcast %get3A_15 : vector<1x192xf32> to vector<256x192xf32>
    %add3A_35 = arith.addf %mul3A_33, %add3A_34 : vector<256x192xf32>
    %mul3A_36 = arith.constant 5.000000e-01 : f32
    %mul3A_37 = vector.broadcast %mul3A_36 : f32 to vector<256x192xf32>
    %mul3A_38 = arith.mulf %mul3A_37, %add3A_35 : vector<256x192xf32>
    %mul3A_39 = arith.constant 0.707106769 : f32
    %mul3A_40 = vector.broadcast %mul3A_39 : f32 to vector<256x192xf32>
    %mul3A_41 = arith.mulf %add3A_35, %mul3A_40 : vector<256x192xf32>
    %erf3A = math.erf %mul3A_41 : vector<256x192xf32>
    %add3A_42 = arith.constant 1.000000e+00 : f32
    %add3A_43 = vector.broadcast %add3A_42 : f32 to vector<256x192xf32>
    %add3A_44 = arith.addf %add3A_43, %erf3A : vector<256x192xf32>
    %mul3A_45 = arith.mulf %mul3A_38, %add3A_44 : vector<256x192xf32>
    %iota3A = tpu.iota {dimensions = array<i32: 0>} : vector<192x64xi32>
    %iota3A_46 = tpu.iota {dimensions = array<i32: 1>} : vector<192x64xi32>
    %jit3A = arith.constant 3 : i32
    %div3A_47 = vector.broadcast %jit3A : i32 to vector<192x64xi32>
    %div3A_48 = arith.divsi %iota3A, %div3A_47 : vector<192x64xi32>
    %sign3A = arith.constant 0 : i32
    %sign3A_49 = vector.broadcast %sign3A : i32 to vector<192x64xi32>
    %sign3A_50 = arith.cmpi sgt, %iota3A, %sign3A_49 : vector<192x64xi32>
    %sign3A_51 = arith.extui %sign3A_50 : vector<192x64xi1> to vector<192x64xi32>
    %sign3A_52 = arith.constant 0 : i32
    %sign3A_53 = vector.broadcast %sign3A_52 : i32 to vector<192x64xi32>
    %sign3A_54 = arith.cmpi slt, %iota3A, %sign3A_53 : vector<192x64xi32>
    %sign3A_55 = arith.extui %sign3A_54 : vector<192x64xi1> to vector<192x64xi32>
    %sign3A_56 = arith.subi %sign3A_51, %sign3A_55 : vector<192x64xi32>
    %sign3A_57 = arith.constant 0 : i32
    %sign3A_58 = arith.cmpi sgt, %jit3A, %sign3A_57 : i32
    %sign3A_59 = arith.extui %sign3A_58 : i1 to i32
    %sign3A_60 = arith.constant 0 : i32
    %sign3A_61 = arith.cmpi slt, %jit3A, %sign3A_60 : i32
    %sign3A_62 = arith.extui %sign3A_61 : i1 to i32
    %sign3A_63 = arith.subi %sign3A_59, %sign3A_62 : i32
    %ne3A = vector.broadcast %sign3A_63 : i32 to vector<192x64xi32>
    %ne3A_64 = arith.cmpi ne, %sign3A_56, %ne3A : vector<192x64xi32>
    %rem3A = vector.broadcast %jit3A : i32 to vector<192x64xi32>
    %rem3A_65 = arith.remsi %iota3A, %rem3A : vector<192x64xi32>
    %ne3A_66 = arith.constant 0 : i32
    %ne3A_67 = vector.broadcast %ne3A_66 : i32 to vector<192x64xi32>
    %ne3A_68 = arith.cmpi ne, %rem3A_65, %ne3A_67 : vector<192x64xi32>
    %and3A = arith.andi %ne3A_64, %ne3A_68 : vector<192x64xi1>
    %sub3A_69 = arith.constant 1 : i32
    %sub3A_70 = vector.broadcast %sub3A_69 : i32 to vector<192x64xi32>
    %sub3A_71 = arith.subi %div3A_48, %sub3A_70 : vector<192x64xi32>
    %select_n3A = arith.select %and3A, %sub3A_71, %div3A_48 : vector<192x64xi1>, vector<192x64xi32>
    %eq3A = arith.cmpi eq, %select_n3A, %iota3A_46 : vector<192x64xi32>
    %jit3A_72 = arith.constant 0.333333343 : f32
    %jit3A_73 = arith.constant 0.000000e+00 : f32
    %broadcast_in_dim3A_74 = vector.broadcast %jit3A_72 : f32 to vector<192x64xf32>
    %broadcast_in_dim3A_75 = vector.broadcast %jit3A_73 : f32 to vector<192x64xf32>
    %select_n3A_76 = arith.select %eq3A, %broadcast_in_dim3A_74, %broadcast_in_dim3A_75 : vector<192x64xi1>, vector<192x64xf32>
    %dot_general3A_77 = arith.constant dense<0.000000e+00> : vector<256x64xf32>
    %dot_general3A_78 = tpu.matmul %mul3A_45, %select_n3A_76, %dot_general3A_77 {dimension_numbers = #tpu.dot_dimension_numbers<[1], [0], [0], [1], [0, 0, 1, 1], [], []>, precision = #tpu.contract_precision<fp32>, transpose_lhs_hint = false} : vector<256x192xf32>, vector<192x64xf32>, vector<256x64xf32> -> vector<256x64xf32>
    %get3A_79 = arith.constant 0 : index
    %get3A_80 = arith.constant 0 : index
    %get3A_81 = vector.load %arg6[%get3A_79, %get3A_80] : memref<64x64xf32, #tpu.memory_space<vmem>>, vector<64x64xf32>
    %dot_general3A_82 = arith.constant dense<0.000000e+00> : vector<256x64xf32>
    %dot_general3A_83 = tpu.matmul %dot_general3A_78, %get3A_81, %dot_general3A_82 {dimension_numbers = #tpu.dot_dimension_numbers<[1], [0], [0], [1], [0, 0, 1, 1], [], []>, precision = #tpu.contract_precision<fp32>, transpose_lhs_hint = false} : vector<256x64xf32>, vector<64x64xf32>, vector<256x64xf32> -> vector<256x64xf32>
    %swap3A = arith.constant 0 : index
    %swap3A_84 = arith.constant 0 : index
    %swap3A_85 = vector.load %arg9[%swap3A, %swap3A_84] : memref<256x64xf32, #tpu.memory_space<vmem>>, vector<256x64xf32>
    tpu.vector_store %arg9[%swap3A, %swap3A_84], %dot_general3A_83 {strides = array<i32>} : memref<256x64xf32, #tpu.memory_space<vmem>>, vector<256x64xf32>,
    %get3A_86 = arith.constant 0 : index
    %get3A_87 = arith.constant 0 : index
    %get3A_88 = vector.load %arg7[%get3A_86, %get3A_87] : memref<256x1024xf32, #tpu.memory_space<vmem>>, vector<256x1024xf32>
    %dot_general3A_89 = arith.constant dense<0.000000e+00> : vector<256x256xf32>
    %dot_general3A_90 = tpu.matmul %get3A_1, %get3A_88, %dot_general3A_89 {dimension_numbers = #tpu.dot_dimension_numbers<[1], [1], [0], [0], [0, 0, 1, 0], [], []>, precision = #tpu.contract_precision<fp32>, transpose_lhs_hint = false} : vector<256x1024xf32>, vector<256x1024xf32>, vector<256x256xf32> -> vector<256x256xf32>
    %get3A_91 = arith.constant 0 : index
    %get3A_92 = arith.constant 0 : index
    %get3A_93 = vector.load %arg8[%get3A_91, %get3A_92] : memref<1x256xf32, #tpu.memory_space<vmem>>, vector<1x256xf32>
    %add3A_94 = vector.broadcast %get3A_93 : vector<1x256xf32> to vector<256x256xf32>
    %add3A_95 = arith.addf %dot_general3A_90, %add3A_94 : vector<256x256xf32>
    %cos3A = math.cos %add3A_95 : vector<256x256xf32>
    %swap3A_96 = arith.constant 0 : index
    %swap3A_97 = arith.constant 0 : index
    %swap3A_98 = vector.load %arg10[%swap3A_96, %swap3A_97] : memref<256x256xf32, #tpu.memory_space<vmem>>, vector<256x256xf32>
    tpu.vector_store %arg10[%swap3A_96, %swap3A_97], %cos3A {strides = array<i32>} : memref<256x256xf32, #tpu.memory_space<vmem>>, vector<256x256xf32>,
    %sin3A = math.sin %add3A_95 : vector<256x256xf32>
    %swap3A_99 = arith.constant 0 : index
    %swap3A_100 = arith.constant 0 : index
    %swap3A_101 = vector.load %arg11[%swap3A_99, %swap3A_100] : memref<256x256xf32, #tpu.memory_space<vmem>>, vector<256x256xf32>
    tpu.vector_store %arg11[%swap3A_99, %swap3A_100], %sin3A {strides = array<i32>} : memref<256x256xf32, #tpu.memory_space<vmem>>, vector<256x256xf32>,
    return
  }
  func.func @transform_0(%arg0: i32) -> (i32, i32) {
    %c0_i32 = arith.constant 0 : i32
    %c0_i32_0 = arith.constant 0 : i32
    return %arg0, %c0_i32 : i32, i32
  }
  func.func @transform_1(%arg0: i32) -> (i32, i32) {
    %c0_i32 = arith.constant 0 : i32
    %c0_i32_0 = arith.constant 0 : i32
    %c0_i32_1 = arith.constant 0 : i32
    return %c0_i32, %c0_i32_0 : i32, i32
  }
  func.func @transform_2(%arg0: i32) -> (i32, i32) {
    %c0_i32 = arith.constant 0 : i32
    %c0_i32_0 = arith.constant 0 : i32
    %c0_i32_1 = arith.constant 0 : i32
    return %c0_i32, %c0_i32_0 : i32, i32
  }
  func.func @transform_3(%arg0: i32) -> (i32, i32) {
    %c0_i32 = arith.constant 0 : i32
    %c0_i32_0 = arith.constant 0 : i32
    %c0_i32_1 = arith.constant 0 : i32
    return %c0_i32, %c0_i32_0 : i32, i32
  }
  func.func @transform_4(%arg0: i32) -> (i32, i32) {
    %c0_i32 = arith.constant 0 : i32
    %c0_i32_0 = arith.constant 0 : i32
    %c0_i32_1 = arith.constant 0 : i32
    return %c0_i32, %c0_i32_0 : i32, i32
  }
  func.func @transform_5(%arg0: i32) -> (i32, i32) {
    %c0_i32 = arith.constant 0 : i32
    %c0_i32_0 = arith.constant 0 : i32
    %c0_i32_1 = arith.constant 0 : i32
    return %c0_i32, %c0_i32_0 : i32, i32
  }
  func.func @transform_6(%arg0: i32) -> (i32, i32) {
    %c0_i32 = arith.constant 0 : i32
    %c0_i32_0 = arith.constant 0 : i32
    %c0_i32_1 = arith.constant 0 : i32
    return %c0_i32, %c0_i32_0 : i32, i32
  }
  func.func @transform_7(%arg0: i32) -> (i32, i32) {
    %c0_i32 = arith.constant 0 : i32
    %c0_i32_0 = arith.constant 0 : i32
    %c0_i32_1 = arith.constant 0 : i32
    return %c0_i32, %c0_i32_0 : i32, i32
  }
  func.func @transform_8(%arg0: i32) -> (i32, i32) {
    %c0_i32 = arith.constant 0 : i32
    %c0_i32_0 = arith.constant 0 : i32
    return %arg0, %c0_i32 : i32, i32
  }
  func.func @transform_9(%arg0: i32) -> (i32, i32) {
    %c0_i32 = arith.constant 0 : i32
    %c0_i32_0 = arith.constant 0 : i32
    return %arg0, %c0_i32 : i32, i32
  }
  func.func @transform_10(%arg0: i32) -> (i32, i32) {
    %c0_i32 = arith.constant 0 : i32
    %c0_i32_0 = arith.constant 0 : i32
    return %arg0, %c0_i32 : i32, i32
  }
}

module attributes {stable_mosaic.version = 14 : i64} {
  func.func @_k2_body(%arg0: i32, %arg1: memref<128x64xf32, #tpu.memory_space<vmem>>, %arg2: memref<16384x64xf32, #tpu.memory_space<vmem>>, %arg3: memref<1x16384xf32, #tpu.memory_space<vmem>>, %arg4: memref<128x32xi32, #tpu.memory_space<vmem>>, %arg5: memref<128x32xf32, #tpu.memory_space<vmem>>) attributes {dimension_semantics = [#tpu.dimension_semantics<arbitrary>], iteration_bounds = array<i64: 16>, scalar_prefetch = 0 : i64, scratch_operands = 0 : i64, tpu.core_type = #tpu.core_type<tc>, window_params = [{transform_indices = @transform_0, window_bounds = array<i64: 128, 64>}, {pipeline_mode = #tpu.pipeline_mode<synchronous>, transform_indices = @transform_1, window_bounds = array<i64: 16384, 64>}, {pipeline_mode = #tpu.pipeline_mode<synchronous>, transform_indices = @transform_2, window_bounds = array<i64: 1, 16384>}, {transform_indices = @transform_3, window_bounds = array<i64: 128, 32>}, {transform_indices = @transform_4, window_bounds = array<i64: 128, 32>}]} {
    %get3A = arith.constant 0 : index
    %get3A_0 = arith.constant 0 : index
    %get3A_1 = vector.load %arg1[%get3A, %get3A_0] : memref<128x64xf32, #tpu.memory_space<vmem>>, vector<128x64xf32>
    %get3A_2 = arith.constant 0 : index
    %get3A_3 = arith.constant 0 : index
    %get3A_4 = vector.load %arg3[%get3A_2, %get3A_3] : memref<1x16384xf32, #tpu.memory_space<vmem>>, vector<1x16384xf32>
    %get3A_5 = arith.constant 0 : index
    %get3A_6 = arith.constant 0 : index
    %get3A_7 = vector.load %arg2[%get3A_5, %get3A_6] : memref<16384x64xf32, #tpu.memory_space<vmem>>, vector<16384x64xf32>
    %dot_general3A = arith.constant dense<0.000000e+00> : vector<128x16384xf32>
    %dot_general3A_8 = tpu.matmul %get3A_1, %get3A_7, %dot_general3A {dimension_numbers = #tpu.dot_dimension_numbers<[1], [1], [0], [0], [0, 0, 1, 0], [], []>, precision = #tpu.contract_precision<fp32>, transpose_lhs_hint = false} : vector<128x64xf32>, vector<16384x64xf32>, vector<128x16384xf32> -> vector<128x16384xf32>
    %mul3A = arith.constant 2.000000e+00 : f32
    %mul3A_9 = vector.broadcast %mul3A : f32 to vector<128x16384xf32>
    %mul3A_10 = arith.mulf %mul3A_9, %dot_general3A_8 : vector<128x16384xf32>
    %sub3A = vector.broadcast %get3A_4 : vector<1x16384xf32> to vector<128x16384xf32>
    %sub3A_11 = arith.subf %sub3A, %mul3A_10 : vector<128x16384xf32>
    %mul3A_12 = arith.mulf %get3A_1, %get3A_1 : vector<128x64xf32>
    %reduce_sum3A = arith.constant dense<0.000000e+00> : vector<128xf32>
    %reduce_sum3A_13 = vector.multi_reduction <add>, %mul3A_12, %reduce_sum3A [1] : vector<128x64xf32> to vector<128xf32>
    %broadcast_in_dim3A = vector.shape_cast %reduce_sum3A_13 : vector<128xf32> to vector<128x1xf32>
    %iota3A = tpu.iota {dimensions = array<i32: 1>} : vector<128x16384xi32>
    %iota3A_14 = tpu.iota {dimensions = array<i32: 1>} : vector<128x32xi32>
    %iota3A_15 = tpu.iota {dimensions = array<i32: 0>} : vector<128x32xi32>
    %mul3A_16 = arith.constant 128 : i32
    %mul3A_17 = vector.broadcast %mul3A_16 : i32 to vector<128x32xi32>
    %mul3A_18 = arith.muli %iota3A_15, %mul3A_17 : vector<128x32xi32>
    %mul3A_19 = arith.constant 4 : i32
    %mul3A_20 = vector.broadcast %mul3A_19 : i32 to vector<128x32xi32>
    %mul3A_21 = arith.muli %iota3A_14, %mul3A_20 : vector<128x32xi32>
    %add3A = arith.addi %mul3A_18, %mul3A_21 : vector<128x32xi32>
    %jit3A = arith.constant 16384 : i32
    %eq3A = arith.constant 0 : i32
    %eq3A_22 = arith.cmpi eq, %jit3A, %eq3A : i32
    %jit3A_23 = arith.constant 1 : i32
    %select_n3A = arith.select %eq3A_22, %jit3A_23, %jit3A : i32
    %rem3A = vector.broadcast %select_n3A : i32 to vector<128x32xi32>
    %rem3A_24 = arith.remsi %add3A, %rem3A : vector<128x32xi32>
    %ne3A = arith.constant 0 : i32
    %ne3A_25 = vector.broadcast %ne3A : i32 to vector<128x32xi32>
    %ne3A_26 = arith.cmpi ne, %rem3A_24, %ne3A_25 : vector<128x32xi32>
    %lt3A = arith.constant 0 : i32
    %lt3A_27 = vector.broadcast %lt3A : i32 to vector<128x32xi32>
    %lt3A_28 = arith.cmpi slt, %rem3A_24, %lt3A_27 : vector<128x32xi32>
    %lt3A_29 = arith.constant 0 : i32
    %lt3A_30 = arith.cmpi slt, %select_n3A, %lt3A_29 : i32
    %ne3A_31 = vector.broadcast %lt3A_30 : i1 to vector<128x32xi1>
    %ne3A_32 = vector.broadcast %ne3A_31 : vector<128x32xi1> to vector<128x32xi1>
    %ne3A_33 = arith.xori %lt3A_28, %ne3A_32 : vector<128x32xi1>
    %and3A = arith.andi %ne3A_33, %ne3A_26 : vector<128x32xi1>
    %add3A_34 = vector.broadcast %select_n3A : i32 to vector<128x32xi32>
    %add3A_35 = arith.addi %rem3A_24, %add3A_34 : vector<128x32xi32>
    %select_n3A_36 = arith.select %and3A, %add3A_35, %rem3A_24 : vector<128x32xi1>, vector<128x32xi32>
    %broadcast_in_dim3A_37 = arith.constant 0.000000e+00 : f32
    %broadcast_in_dim3A_38 = vector.broadcast %broadcast_in_dim3A_37 : f32 to vector<128x32xf32>
    %scan3A = arith.constant 3.40282347E+38 : f32
    %scan3A_39 = arith.constant 0 : i32
    %scan3A_40 = arith.constant 16 : i32
    %scan3A_41 = arith.addi %scan3A_39, %scan3A_40 : i32
    %scan3A_42 = arith.constant 1 : i32
    %scan3A_43:3 = scf.for %scan3A_50 = %scan3A_39 to %scan3A_41 step %scan3A_42 iter_args(%scan3A_51 = %sub3A_11, %scan3A_52 = %select_n3A_36, %scan3A_53 = %broadcast_in_dim3A_38) -> (vector<128x16384xf32>, vector<128x32xi32>, vector<128x32xf32>)  : i32 {
      %reduce_min3A = arith.constant dense<0x7F800000> : vector<128xf32>
      %reduce_min3A_54 = vector.multi_reduction <minimumf>, %scan3A_51, %reduce_min3A [1] : vector<128x16384xf32> to vector<128xf32>
      %broadcast_in_dim3A_55 = vector.shape_cast %reduce_min3A_54 : vector<128xf32> to vector<128x1xf32>
      %eq3A_56 = vector.broadcast %broadcast_in_dim3A_55 : vector<128x1xf32> to vector<128x16384xf32>
      %eq3A_57 = arith.cmpf oeq, %scan3A_51, %eq3A_56 : vector<128x16384xf32>
      %jit3A_58 = arith.constant 16384 : i32
      %broadcast_in_dim3A_59 = vector.broadcast %jit3A_58 : i32 to vector<128x16384xi32>
      %select_n3A_60 = arith.select %eq3A_57, %iota3A, %broadcast_in_dim3A_59 : vector<128x16384xi1>, vector<128x16384xi32>
      %reduce_min3A_61 = arith.constant dense<2147483647> : vector<128xi32>
      %reduce_min3A_62 = vector.multi_reduction <minsi>, %select_n3A_60, %reduce_min3A_61 [1] : vector<128x16384xi32> to vector<128xi32>
      %broadcast_in_dim3A_63 = vector.shape_cast %reduce_min3A_62 : vector<128xi32> to vector<128x1xi32>
      %eq3A_64 = vector.broadcast %scan3A_50 : i32 to vector<128x32xi32>
      %eq3A_65 = arith.cmpi eq, %iota3A_14, %eq3A_64 : vector<128x32xi32>
      %broadcast_in_dim3A_66 = vector.shape_cast %broadcast_in_dim3A_63 : vector<128x1xi32> to vector<128x1xi32>
      %broadcast_in_dim3A_67 = vector.broadcast %broadcast_in_dim3A_66 : vector<128x1xi32> to vector<128x32xi32>
      %select_n3A_68 = arith.select %eq3A_65, %broadcast_in_dim3A_67, %scan3A_52 : vector<128x32xi1>, vector<128x32xi32>
      %eq3A_69 = vector.broadcast %scan3A_50 : i32 to vector<128x32xi32>
      %eq3A_70 = arith.cmpi eq, %iota3A_14, %eq3A_69 : vector<128x32xi32>
      %add3A_71 = arith.addf %broadcast_in_dim3A_55, %broadcast_in_dim3A : vector<128x1xf32>
      %broadcast_in_dim3A_72 = vector.shape_cast %add3A_71 : vector<128x1xf32> to vector<128x1xf32>
      %broadcast_in_dim3A_73 = vector.broadcast %broadcast_in_dim3A_72 : vector<128x1xf32> to vector<128x32xf32>
      %select_n3A_74 = arith.select %eq3A_70, %broadcast_in_dim3A_73, %scan3A_53 : vector<128x32xi1>, vector<128x32xf32>
      %eq3A_75 = vector.broadcast %broadcast_in_dim3A_63 : vector<128x1xi32> to vector<128x16384xi32>
      %eq3A_76 = arith.cmpi eq, %iota3A, %eq3A_75 : vector<128x16384xi32>
      %broadcast_in_dim3A_77 = vector.broadcast %scan3A : f32 to vector<128x16384xf32>
      %select_n3A_78 = arith.select %eq3A_76, %broadcast_in_dim3A_77, %scan3A_51 : vector<128x16384xi1>, vector<128x16384xf32>
      scf.yield %select_n3A_78, %select_n3A_68, %select_n3A_74 : vector<128x16384xf32>, vector<128x32xi32>, vector<128x32xf32>
    }
    %scan3A_44 = arith.constant 16 : i32
    %swap3A = arith.constant 0 : index
    %swap3A_45 = arith.constant 0 : index
    %swap3A_46 = vector.load %arg4[%swap3A, %swap3A_45] : memref<128x32xi32, #tpu.memory_space<vmem>>, vector<128x32xi32>
    tpu.vector_store %arg4[%swap3A, %swap3A_45], %scan3A_43#1 {strides = array<i32>} : memref<128x32xi32, #tpu.memory_space<vmem>>, vector<128x32xi32>,
    %swap3A_47 = arith.constant 0 : index
    %swap3A_48 = arith.constant 0 : index
    %swap3A_49 = vector.load %arg5[%swap3A_47, %swap3A_48] : memref<128x32xf32, #tpu.memory_space<vmem>>, vector<128x32xf32>
    tpu.vector_store %arg5[%swap3A_47, %swap3A_48], %scan3A_43#2 {strides = array<i32>} : memref<128x32xf32, #tpu.memory_space<vmem>>, vector<128x32xf32>,
    return
  }
  func.func @transform_0(%arg0: i32) -> (i32, i32) {
    %c0_i32 = arith.constant 0 : i32
    %c0_i32_0 = arith.constant 0 : i32
    return %arg0, %c0_i32 : i32, i32
  }
  func.func @transform_1(%arg0: i32) -> (i32, i32) {
    %c0_i32 = arith.constant 0 : i32
    %c0_i32_0 = arith.constant 0 : i32
    %c0_i32_1 = arith.constant 0 : i32
    return %c0_i32, %c0_i32_0 : i32, i32
  }
  func.func @transform_2(%arg0: i32) -> (i32, i32) {
    %c0_i32 = arith.constant 0 : i32
    %c0_i32_0 = arith.constant 0 : i32
    %c0_i32_1 = arith.constant 0 : i32
    return %c0_i32, %c0_i32_0 : i32, i32
  }
  func.func @transform_3(%arg0: i32) -> (i32, i32) {
    %c0_i32 = arith.constant 0 : i32
    %c0_i32_0 = arith.constant 0 : i32
    return %arg0, %c0_i32 : i32, i32
  }
  func.func @transform_4(%arg0: i32) -> (i32, i32) {
    %c0_i32 = arith.constant 0 : i32
    %c0_i32_0 = arith.constant 0 : i32
    return %arg0, %c0_i32 : i32, i32
  }
}

module attributes {stable_mosaic.version = 14 : i64} {
  func.func @_k3_body(%arg0: i32, %arg1: memref<2048x384xf32, #tpu.memory_space<vmem>>, %arg2: memref<2048x384xf32, #tpu.memory_space<vmem>>, %arg3: memref<64x32xf32, #tpu.memory_space<vmem>>, %arg4: memref<64x256xf32, #tpu.memory_space<vmem>>, %arg5: memref<64x256xf32, #tpu.memory_space<vmem>>, %arg6: memref<256x192xf32, #tpu.memory_space<vmem>>, %arg7: memref<256x192xf32, #tpu.memory_space<vmem>>, %arg8: memref<1x192xf32, #tpu.memory_space<vmem>>, %arg9: memref<1024x192xf32, #tpu.memory_space<vmem>>, %arg10: memref<1x1024xf32, #tpu.memory_space<vmem>>, %arg11: memref<1x1024xf32, #tpu.memory_space<vmem>>, %arg12: memref<1x1024xf32, #tpu.memory_space<vmem>>, %arg13: memref<64x1024xf32, #tpu.memory_space<vmem>>) attributes {dimension_semantics = [#tpu.dimension_semantics<arbitrary>], iteration_bounds = array<i64: 32>, scalar_prefetch = 0 : i64, scratch_operands = 0 : i64, tpu.core_type = #tpu.core_type<tc>, window_params = [{transform_indices = @transform_0, window_bounds = array<i64: 2048, 384>}, {transform_indices = @transform_1, window_bounds = array<i64: 2048, 384>}, {transform_indices = @transform_2, window_bounds = array<i64: 64, 32>}, {transform_indices = @transform_3, window_bounds = array<i64: 64, 256>}, {transform_indices = @transform_4, window_bounds = array<i64: 64, 256>}, {pipeline_mode = #tpu.pipeline_mode<synchronous>, transform_indices = @transform_5, window_bounds = array<i64: 256, 192>}, {pipeline_mode = #tpu.pipeline_mode<synchronous>, transform_indices = @transform_6, window_bounds = array<i64: 256, 192>}, {pipeline_mode = #tpu.pipeline_mode<synchronous>, transform_indices = @transform_7, window_bounds = array<i64: 1, 192>}, {pipeline_mode = #tpu.pipeline_mode<synchronous>, transform_indices = @transform_8, window_bounds = array<i64: 1024, 192>}, {pipeline_mode = #tpu.pipeline_mode<synchronous>, transform_indices = @transform_9, window_bounds = array<i64: 1, 1024>}, {pipeline_mode = #tpu.pipeline_mode<synchronous>, transform_indices = @transform_10, window_bounds = array<i64: 1, 1024>}, {pipeline_mode = #tpu.pipeline_mode<synchronous>, transform_indices = @transform_11, window_bounds = array<i64: 1, 1024>}, {transform_indices = @transform_12, window_bounds = array<i64: 64, 1024>}]} {
    %get3A = arith.constant 0 : index
    %get3A_0 = arith.constant 0 : index
    %get3A_1 = vector.load %arg1[%get3A, %get3A_0] : memref<2048x384xf32, #tpu.memory_space<vmem>>, vector<2048x384xf32>
    %get3A_2 = arith.constant 0 : index
    %get3A_3 = arith.constant 0 : index
    %get3A_4 = vector.load %arg2[%get3A_2, %get3A_3] : memref<2048x384xf32, #tpu.memory_space<vmem>>, vector<2048x384xf32>
    %concatenate3A = tpu.concatenate %get3A_1, %get3A_4 in 1 : vector<2048x384xf32>, vector<2048x384xf32> -> vector<2048x768xf32>
    %reshape3A = vector.shape_cast %concatenate3A : vector<2048x768xf32> to vector<64x32x768xf32>
    %slice3A = vector.extract_strided_slice %reshape3A {offsets = [0, 0, 704], sizes = [64, 32, 1], strides = [1, 1, 1]} : vector<64x32x768xf32> to vector<64x32x1xf32>
    %slice3A_5 = vector.extract_strided_slice %reshape3A {offsets = [0, 0, 705], sizes = [64, 32, 1], strides = [1, 1, 1]} : vector<64x32x768xf32> to vector<64x32x1xf32>
    %get3A_6 = arith.constant 0 : index
    %get3A_7 = arith.constant 0 : index
    %get3A_8 = vector.load %arg3[%get3A_6, %get3A_7] : memref<64x32xf32, #tpu.memory_space<vmem>>, vector<64x32xf32>
    %broadcast_in_dim3A = vector.shape_cast %get3A_8 : vector<64x32xf32> to vector<64x32x1xf32>
    %neg3A = arith.constant 0.000000e+00 : f32
    %neg3A_9 = vector.broadcast %neg3A : f32 to vector<64x32x1xf32>
    %neg3A_10 = arith.subf %neg3A_9, %broadcast_in_dim3A : vector<64x32x1xf32>
    %mul3A = arith.mulf %neg3A_10, %slice3A_5 : vector<64x32x1xf32>
    %add3A = arith.addf %mul3A, %slice3A : vector<64x32x1xf32>
    %reduce_max3A = arith.constant dense<0xFF800000> : vector<64x1xf32>
    %reduce_max3A_11 = vector.multi_reduction <maximumf>, %add3A, %reduce_max3A [1] : vector<64x32x1xf32> to vector<64x1xf32>
    %broadcast_in_dim3A_12 = vector.shape_cast %reduce_max3A_11 : vector<64x1xf32> to vector<64x1x1xf32>
    %sub3A = vector.broadcast %broadcast_in_dim3A_12 : vector<64x1x1xf32> to vector<64x32x1xf32>
    %sub3A_13 = arith.subf %add3A, %sub3A : vector<64x32x1xf32>
    %exp3A = math.exp %sub3A_13 : vector<64x32x1xf32>
    %reduce_sum3A = arith.constant dense<0.000000e+00> : vector<64x1xf32>
    %reduce_sum3A_14 = vector.multi_reduction <add>, %exp3A, %reduce_sum3A [1] : vector<64x32x1xf32> to vector<64x1xf32>
    %broadcast_in_dim3A_15 = vector.shape_cast %reduce_sum3A_14 : vector<64x1xf32> to vector<64x1x1xf32>
    %div3A = vector.broadcast %broadcast_in_dim3A_15 : vector<64x1x1xf32> to vector<64x32x1xf32>
    %div3A_16 = arith.divf %exp3A, %div3A : vector<64x32x1xf32>
    %broadcast_in_dim3A_17 = arith.constant 0.000000e+00 : f32
    %broadcast_in_dim3A_18 = vector.broadcast %broadcast_in_dim3A_17 : f32 to vector<64x768xf32>
    %slice3A_19 = vector.extract_strided_slice %div3A_16 {offsets = [0, 0, 0], sizes = [64, 1, 1], strides = [1, 1, 1]} : vector<64x32x1xf32> to vector<64x1x1xf32>
    %squeeze3A = vector.shape_cast %slice3A_19 : vector<64x1x1xf32> to vector<64x1xf32>
    %slice3A_20 = vector.extract_strided_slice %reshape3A {offsets = [0, 0, 0], sizes = [64, 1, 768], strides = [1, 1, 1]} : vector<64x32x768xf32> to vector<64x1x768xf32>
    %squeeze3A_21 = vector.shape_cast %slice3A_20 : vector<64x1x768xf32> to vector<64x768xf32>
    %mul3A_22 = vector.broadcast %squeeze3A : vector<64x1xf32> to vector<64x768xf32>
    %mul3A_23 = arith.mulf %mul3A_22, %squeeze3A_21 : vector<64x768xf32>
    %add3A_24 = arith.addf %broadcast_in_dim3A_18, %mul3A_23 : vector<64x768xf32>
    %slice3A_25 = vector.extract_strided_slice %div3A_16 {offsets = [0, 1, 0], sizes = [64, 1, 1], strides = [1, 1, 1]} : vector<64x32x1xf32> to vector<64x1x1xf32>
    %squeeze3A_26 = vector.shape_cast %slice3A_25 : vector<64x1x1xf32> to vector<64x1xf32>
    %slice3A_27 = vector.extract_strided_slice %reshape3A {offsets = [0, 1, 0], sizes = [64, 1, 768], strides = [1, 1, 1]} : vector<64x32x768xf32> to vector<64x1x768xf32>
    %squeeze3A_28 = vector.shape_cast %slice3A_27 : vector<64x1x768xf32> to vector<64x768xf32>
    %mul3A_29 = vector.broadcast %squeeze3A_26 : vector<64x1xf32> to vector<64x768xf32>
    %mul3A_30 = arith.mulf %mul3A_29, %squeeze3A_28 : vector<64x768xf32>
    %add3A_31 = arith.addf %add3A_24, %mul3A_30 : vector<64x768xf32>
    %slice3A_32 = vector.extract_strided_slice %div3A_16 {offsets = [0, 2, 0], sizes = [64, 1, 1], strides = [1, 1, 1]} : vector<64x32x1xf32> to vector<64x1x1xf32>
    %squeeze3A_33 = vector.shape_cast %slice3A_32 : vector<64x1x1xf32> to vector<64x1xf32>
    %slice3A_34 = vector.extract_strided_slice %reshape3A {offsets = [0, 2, 0], sizes = [64, 1, 768], strides = [1, 1, 1]} : vector<64x32x768xf32> to vector<64x1x768xf32>
    %squeeze3A_35 = vector.shape_cast %slice3A_34 : vector<64x1x768xf32> to vector<64x768xf32>
    %mul3A_36 = vector.broadcast %squeeze3A_33 : vector<64x1xf32> to vector<64x768xf32>
    %mul3A_37 = arith.mulf %mul3A_36, %squeeze3A_35 : vector<64x768xf32>
    %add3A_38 = arith.addf %add3A_31, %mul3A_37 : vector<64x768xf32>
    %slice3A_39 = vector.extract_strided_slice %div3A_16 {offsets = [0, 3, 0], sizes = [64, 1, 1], strides = [1, 1, 1]} : vector<64x32x1xf32> to vector<64x1x1xf32>
    %squeeze3A_40 = vector.shape_cast %slice3A_39 : vector<64x1x1xf32> to vector<64x1xf32>
    %slice3A_41 = vector.extract_strided_slice %reshape3A {offsets = [0, 3, 0], sizes = [64, 1, 768], strides = [1, 1, 1]} : vector<64x32x768xf32> to vector<64x1x768xf32>
    %squeeze3A_42 = vector.shape_cast %slice3A_41 : vector<64x1x768xf32> to vector<64x768xf32>
    %mul3A_43 = vector.broadcast %squeeze3A_40 : vector<64x1xf32> to vector<64x768xf32>
    %mul3A_44 = arith.mulf %mul3A_43, %squeeze3A_42 : vector<64x768xf32>
    %add3A_45 = arith.addf %add3A_38, %mul3A_44 : vector<64x768xf32>
    %slice3A_46 = vector.extract_strided_slice %div3A_16 {offsets = [0, 4, 0], sizes = [64, 1, 1], strides = [1, 1, 1]} : vector<64x32x1xf32> to vector<64x1x1xf32>
    %squeeze3A_47 = vector.shape_cast %slice3A_46 : vector<64x1x1xf32> to vector<64x1xf32>
    %slice3A_48 = vector.extract_strided_slice %reshape3A {offsets = [0, 4, 0], sizes = [64, 1, 768], strides = [1, 1, 1]} : vector<64x32x768xf32> to vector<64x1x768xf32>
    %squeeze3A_49 = vector.shape_cast %slice3A_48 : vector<64x1x768xf32> to vector<64x768xf32>
    %mul3A_50 = vector.broadcast %squeeze3A_47 : vector<64x1xf32> to vector<64x768xf32>
    %mul3A_51 = arith.mulf %mul3A_50, %squeeze3A_49 : vector<64x768xf32>
    %add3A_52 = arith.addf %add3A_45, %mul3A_51 : vector<64x768xf32>
    %slice3A_53 = vector.extract_strided_slice %div3A_16 {offsets = [0, 5, 0], sizes = [64, 1, 1], strides = [1, 1, 1]} : vector<64x32x1xf32> to vector<64x1x1xf32>
    %squeeze3A_54 = vector.shape_cast %slice3A_53 : vector<64x1x1xf32> to vector<64x1xf32>
    %slice3A_55 = vector.extract_strided_slice %reshape3A {offsets = [0, 5, 0], sizes = [64, 1, 768], strides = [1, 1, 1]} : vector<64x32x768xf32> to vector<64x1x768xf32>
    %squeeze3A_56 = vector.shape_cast %slice3A_55 : vector<64x1x768xf32> to vector<64x768xf32>
    %mul3A_57 = vector.broadcast %squeeze3A_54 : vector<64x1xf32> to vector<64x768xf32>
    %mul3A_58 = arith.mulf %mul3A_57, %squeeze3A_56 : vector<64x768xf32>
    %add3A_59 = arith.addf %add3A_52, %mul3A_58 : vector<64x768xf32>
    %slice3A_60 = vector.extract_strided_slice %div3A_16 {offsets = [0, 6, 0], sizes = [64, 1, 1], strides = [1, 1, 1]} : vector<64x32x1xf32> to vector<64x1x1xf32>
    %squeeze3A_61 = vector.shape_cast %slice3A_60 : vector<64x1x1xf32> to vector<64x1xf32>
    %slice3A_62 = vector.extract_strided_slice %reshape3A {offsets = [0, 6, 0], sizes = [64, 1, 768], strides = [1, 1, 1]} : vector<64x32x768xf32> to vector<64x1x768xf32>
    %squeeze3A_63 = vector.shape_cast %slice3A_62 : vector<64x1x768xf32> to vector<64x768xf32>
    %mul3A_64 = vector.broadcast %squeeze3A_61 : vector<64x1xf32> to vector<64x768xf32>
    %mul3A_65 = arith.mulf %mul3A_64, %squeeze3A_63 : vector<64x768xf32>
    %add3A_66 = arith.addf %add3A_59, %mul3A_65 : vector<64x768xf32>
    %slice3A_67 = vector.extract_strided_slice %div3A_16 {offsets = [0, 7, 0], sizes = [64, 1, 1], strides = [1, 1, 1]} : vector<64x32x1xf32> to vector<64x1x1xf32>
    %squeeze3A_68 = vector.shape_cast %slice3A_67 : vector<64x1x1xf32> to vector<64x1xf32>
    %slice3A_69 = vector.extract_strided_slice %reshape3A {offsets = [0, 7, 0], sizes = [64, 1, 768], strides = [1, 1, 1]} : vector<64x32x768xf32> to vector<64x1x768xf32>
    %squeeze3A_70 = vector.shape_cast %slice3A_69 : vector<64x1x768xf32> to vector<64x768xf32>
    %mul3A_71 = vector.broadcast %squeeze3A_68 : vector<64x1xf32> to vector<64x768xf32>
    %mul3A_72 = arith.mulf %mul3A_71, %squeeze3A_70 : vector<64x768xf32>
    %add3A_73 = arith.addf %add3A_66, %mul3A_72 : vector<64x768xf32>
    %slice3A_74 = vector.extract_strided_slice %div3A_16 {offsets = [0, 8, 0], sizes = [64, 1, 1], strides = [1, 1, 1]} : vector<64x32x1xf32> to vector<64x1x1xf32>
    %squeeze3A_75 = vector.shape_cast %slice3A_74 : vector<64x1x1xf32> to vector<64x1xf32>
    %slice3A_76 = vector.extract_strided_slice %reshape3A {offsets = [0, 8, 0], sizes = [64, 1, 768], strides = [1, 1, 1]} : vector<64x32x768xf32> to vector<64x1x768xf32>
    %squeeze3A_77 = vector.shape_cast %slice3A_76 : vector<64x1x768xf32> to vector<64x768xf32>
    %mul3A_78 = vector.broadcast %squeeze3A_75 : vector<64x1xf32> to vector<64x768xf32>
    %mul3A_79 = arith.mulf %mul3A_78, %squeeze3A_77 : vector<64x768xf32>
    %add3A_80 = arith.addf %add3A_73, %mul3A_79 : vector<64x768xf32>
    %slice3A_81 = vector.extract_strided_slice %div3A_16 {offsets = [0, 9, 0], sizes = [64, 1, 1], strides = [1, 1, 1]} : vector<64x32x1xf32> to vector<64x1x1xf32>
    %squeeze3A_82 = vector.shape_cast %slice3A_81 : vector<64x1x1xf32> to vector<64x1xf32>
    %slice3A_83 = vector.extract_strided_slice %reshape3A {offsets = [0, 9, 0], sizes = [64, 1, 768], strides = [1, 1, 1]} : vector<64x32x768xf32> to vector<64x1x768xf32>
    %squeeze3A_84 = vector.shape_cast %slice3A_83 : vector<64x1x768xf32> to vector<64x768xf32>
    %mul3A_85 = vector.broadcast %squeeze3A_82 : vector<64x1xf32> to vector<64x768xf32>
    %mul3A_86 = arith.mulf %mul3A_85, %squeeze3A_84 : vector<64x768xf32>
    %add3A_87 = arith.addf %add3A_80, %mul3A_86 : vector<64x768xf32>
    %slice3A_88 = vector.extract_strided_slice %div3A_16 {offsets = [0, 10, 0], sizes = [64, 1, 1], strides = [1, 1, 1]} : vector<64x32x1xf32> to vector<64x1x1xf32>
    %squeeze3A_89 = vector.shape_cast %slice3A_88 : vector<64x1x1xf32> to vector<64x1xf32>
    %slice3A_90 = vector.extract_strided_slice %reshape3A {offsets = [0, 10, 0], sizes = [64, 1, 768], strides = [1, 1, 1]} : vector<64x32x768xf32> to vector<64x1x768xf32>
    %squeeze3A_91 = vector.shape_cast %slice3A_90 : vector<64x1x768xf32> to vector<64x768xf32>
    %mul3A_92 = vector.broadcast %squeeze3A_89 : vector<64x1xf32> to vector<64x768xf32>
    %mul3A_93 = arith.mulf %mul3A_92, %squeeze3A_91 : vector<64x768xf32>
    %add3A_94 = arith.addf %add3A_87, %mul3A_93 : vector<64x768xf32>
    %slice3A_95 = vector.extract_strided_slice %div3A_16 {offsets = [0, 11, 0], sizes = [64, 1, 1], strides = [1, 1, 1]} : vector<64x32x1xf32> to vector<64x1x1xf32>
    %squeeze3A_96 = vector.shape_cast %slice3A_95 : vector<64x1x1xf32> to vector<64x1xf32>
    %slice3A_97 = vector.extract_strided_slice %reshape3A {offsets = [0, 11, 0], sizes = [64, 1, 768], strides = [1, 1, 1]} : vector<64x32x768xf32> to vector<64x1x768xf32>
    %squeeze3A_98 = vector.shape_cast %slice3A_97 : vector<64x1x768xf32> to vector<64x768xf32>
    %mul3A_99 = vector.broadcast %squeeze3A_96 : vector<64x1xf32> to vector<64x768xf32>
    %mul3A_100 = arith.mulf %mul3A_99, %squeeze3A_98 : vector<64x768xf32>
    %add3A_101 = arith.addf %add3A_94, %mul3A_100 : vector<64x768xf32>
    %slice3A_102 = vector.extract_strided_slice %div3A_16 {offsets = [0, 12, 0], sizes = [64, 1, 1], strides = [1, 1, 1]} : vector<64x32x1xf32> to vector<64x1x1xf32>
    %squeeze3A_103 = vector.shape_cast %slice3A_102 : vector<64x1x1xf32> to vector<64x1xf32>
    %slice3A_104 = vector.extract_strided_slice %reshape3A {offsets = [0, 12, 0], sizes = [64, 1, 768], strides = [1, 1, 1]} : vector<64x32x768xf32> to vector<64x1x768xf32>
    %squeeze3A_105 = vector.shape_cast %slice3A_104 : vector<64x1x768xf32> to vector<64x768xf32>
    %mul3A_106 = vector.broadcast %squeeze3A_103 : vector<64x1xf32> to vector<64x768xf32>
    %mul3A_107 = arith.mulf %mul3A_106, %squeeze3A_105 : vector<64x768xf32>
    %add3A_108 = arith.addf %add3A_101, %mul3A_107 : vector<64x768xf32>
    %slice3A_109 = vector.extract_strided_slice %div3A_16 {offsets = [0, 13, 0], sizes = [64, 1, 1], strides = [1, 1, 1]} : vector<64x32x1xf32> to vector<64x1x1xf32>
    %squeeze3A_110 = vector.shape_cast %slice3A_109 : vector<64x1x1xf32> to vector<64x1xf32>
    %slice3A_111 = vector.extract_strided_slice %reshape3A {offsets = [0, 13, 0], sizes = [64, 1, 768], strides = [1, 1, 1]} : vector<64x32x768xf32> to vector<64x1x768xf32>
    %squeeze3A_112 = vector.shape_cast %slice3A_111 : vector<64x1x768xf32> to vector<64x768xf32>
    %mul3A_113 = vector.broadcast %squeeze3A_110 : vector<64x1xf32> to vector<64x768xf32>
    %mul3A_114 = arith.mulf %mul3A_113, %squeeze3A_112 : vector<64x768xf32>
    %add3A_115 = arith.addf %add3A_108, %mul3A_114 : vector<64x768xf32>
    %slice3A_116 = vector.extract_strided_slice %div3A_16 {offsets = [0, 14, 0], sizes = [64, 1, 1], strides = [1, 1, 1]} : vector<64x32x1xf32> to vector<64x1x1xf32>
    %squeeze3A_117 = vector.shape_cast %slice3A_116 : vector<64x1x1xf32> to vector<64x1xf32>
    %slice3A_118 = vector.extract_strided_slice %reshape3A {offsets = [0, 14, 0], sizes = [64, 1, 768], strides = [1, 1, 1]} : vector<64x32x768xf32> to vector<64x1x768xf32>
    %squeeze3A_119 = vector.shape_cast %slice3A_118 : vector<64x1x768xf32> to vector<64x768xf32>
    %mul3A_120 = vector.broadcast %squeeze3A_117 : vector<64x1xf32> to vector<64x768xf32>
    %mul3A_121 = arith.mulf %mul3A_120, %squeeze3A_119 : vector<64x768xf32>
    %add3A_122 = arith.addf %add3A_115, %mul3A_121 : vector<64x768xf32>
    %slice3A_123 = vector.extract_strided_slice %div3A_16 {offsets = [0, 15, 0], sizes = [64, 1, 1], strides = [1, 1, 1]} : vector<64x32x1xf32> to vector<64x1x1xf32>
    %squeeze3A_124 = vector.shape_cast %slice3A_123 : vector<64x1x1xf32> to vector<64x1xf32>
    %slice3A_125 = vector.extract_strided_slice %reshape3A {offsets = [0, 15, 0], sizes = [64, 1, 768], strides = [1, 1, 1]} : vector<64x32x768xf32> to vector<64x1x768xf32>
    %squeeze3A_126 = vector.shape_cast %slice3A_125 : vector<64x1x768xf32> to vector<64x768xf32>
    %mul3A_127 = vector.broadcast %squeeze3A_124 : vector<64x1xf32> to vector<64x768xf32>
    %mul3A_128 = arith.mulf %mul3A_127, %squeeze3A_126 : vector<64x768xf32>
    %add3A_129 = arith.addf %add3A_122, %mul3A_128 : vector<64x768xf32>
    %slice3A_130 = vector.extract_strided_slice %div3A_16 {offsets = [0, 16, 0], sizes = [64, 1, 1], strides = [1, 1, 1]} : vector<64x32x1xf32> to vector<64x1x1xf32>
    %squeeze3A_131 = vector.shape_cast %slice3A_130 : vector<64x1x1xf32> to vector<64x1xf32>
    %slice3A_132 = vector.extract_strided_slice %reshape3A {offsets = [0, 16, 0], sizes = [64, 1, 768], strides = [1, 1, 1]} : vector<64x32x768xf32> to vector<64x1x768xf32>
    %squeeze3A_133 = vector.shape_cast %slice3A_132 : vector<64x1x768xf32> to vector<64x768xf32>
    %mul3A_134 = vector.broadcast %squeeze3A_131 : vector<64x1xf32> to vector<64x768xf32>
    %mul3A_135 = arith.mulf %mul3A_134, %squeeze3A_133 : vector<64x768xf32>
    %add3A_136 = arith.addf %add3A_129, %mul3A_135 : vector<64x768xf32>
    %slice3A_137 = vector.extract_strided_slice %div3A_16 {offsets = [0, 17, 0], sizes = [64, 1, 1], strides = [1, 1, 1]} : vector<64x32x1xf32> to vector<64x1x1xf32>
    %squeeze3A_138 = vector.shape_cast %slice3A_137 : vector<64x1x1xf32> to vector<64x1xf32>
    %slice3A_139 = vector.extract_strided_slice %reshape3A {offsets = [0, 17, 0], sizes = [64, 1, 768], strides = [1, 1, 1]} : vector<64x32x768xf32> to vector<64x1x768xf32>
    %squeeze3A_140 = vector.shape_cast %slice3A_139 : vector<64x1x768xf32> to vector<64x768xf32>
    %mul3A_141 = vector.broadcast %squeeze3A_138 : vector<64x1xf32> to vector<64x768xf32>
    %mul3A_142 = arith.mulf %mul3A_141, %squeeze3A_140 : vector<64x768xf32>
    %add3A_143 = arith.addf %add3A_136, %mul3A_142 : vector<64x768xf32>
    %slice3A_144 = vector.extract_strided_slice %div3A_16 {offsets = [0, 18, 0], sizes = [64, 1, 1], strides = [1, 1, 1]} : vector<64x32x1xf32> to vector<64x1x1xf32>
    %squeeze3A_145 = vector.shape_cast %slice3A_144 : vector<64x1x1xf32> to vector<64x1xf32>
    %slice3A_146 = vector.extract_strided_slice %reshape3A {offsets = [0, 18, 0], sizes = [64, 1, 768], strides = [1, 1, 1]} : vector<64x32x768xf32> to vector<64x1x768xf32>
    %squeeze3A_147 = vector.shape_cast %slice3A_146 : vector<64x1x768xf32> to vector<64x768xf32>
    %mul3A_148 = vector.broadcast %squeeze3A_145 : vector<64x1xf32> to vector<64x768xf32>
    %mul3A_149 = arith.mulf %mul3A_148, %squeeze3A_147 : vector<64x768xf32>
    %add3A_150 = arith.addf %add3A_143, %mul3A_149 : vector<64x768xf32>
    %slice3A_151 = vector.extract_strided_slice %div3A_16 {offsets = [0, 19, 0], sizes = [64, 1, 1], strides = [1, 1, 1]} : vector<64x32x1xf32> to vector<64x1x1xf32>
    %squeeze3A_152 = vector.shape_cast %slice3A_151 : vector<64x1x1xf32> to vector<64x1xf32>
    %slice3A_153 = vector.extract_strided_slice %reshape3A {offsets = [0, 19, 0], sizes = [64, 1, 768], strides = [1, 1, 1]} : vector<64x32x768xf32> to vector<64x1x768xf32>
    %squeeze3A_154 = vector.shape_cast %slice3A_153 : vector<64x1x768xf32> to vector<64x768xf32>
    %mul3A_155 = vector.broadcast %squeeze3A_152 : vector<64x1xf32> to vector<64x768xf32>
    %mul3A_156 = arith.mulf %mul3A_155, %squeeze3A_154 : vector<64x768xf32>
    %add3A_157 = arith.addf %add3A_150, %mul3A_156 : vector<64x768xf32>
    %slice3A_158 = vector.extract_strided_slice %div3A_16 {offsets = [0, 20, 0], sizes = [64, 1, 1], strides = [1, 1, 1]} : vector<64x32x1xf32> to vector<64x1x1xf32>
    %squeeze3A_159 = vector.shape_cast %slice3A_158 : vector<64x1x1xf32> to vector<64x1xf32>
    %slice3A_160 = vector.extract_strided_slice %reshape3A {offsets = [0, 20, 0], sizes = [64, 1, 768], strides = [1, 1, 1]} : vector<64x32x768xf32> to vector<64x1x768xf32>
    %squeeze3A_161 = vector.shape_cast %slice3A_160 : vector<64x1x768xf32> to vector<64x768xf32>
    %mul3A_162 = vector.broadcast %squeeze3A_159 : vector<64x1xf32> to vector<64x768xf32>
    %mul3A_163 = arith.mulf %mul3A_162, %squeeze3A_161 : vector<64x768xf32>
    %add3A_164 = arith.addf %add3A_157, %mul3A_163 : vector<64x768xf32>
    %slice3A_165 = vector.extract_strided_slice %div3A_16 {offsets = [0, 21, 0], sizes = [64, 1, 1], strides = [1, 1, 1]} : vector<64x32x1xf32> to vector<64x1x1xf32>
    %squeeze3A_166 = vector.shape_cast %slice3A_165 : vector<64x1x1xf32> to vector<64x1xf32>
    %slice3A_167 = vector.extract_strided_slice %reshape3A {offsets = [0, 21, 0], sizes = [64, 1, 768], strides = [1, 1, 1]} : vector<64x32x768xf32> to vector<64x1x768xf32>
    %squeeze3A_168 = vector.shape_cast %slice3A_167 : vector<64x1x768xf32> to vector<64x768xf32>
    %mul3A_169 = vector.broadcast %squeeze3A_166 : vector<64x1xf32> to vector<64x768xf32>
    %mul3A_170 = arith.mulf %mul3A_169, %squeeze3A_168 : vector<64x768xf32>
    %add3A_171 = arith.addf %add3A_164, %mul3A_170 : vector<64x768xf32>
    %slice3A_172 = vector.extract_strided_slice %div3A_16 {offsets = [0, 22, 0], sizes = [64, 1, 1], strides = [1, 1, 1]} : vector<64x32x1xf32> to vector<64x1x1xf32>
    %squeeze3A_173 = vector.shape_cast %slice3A_172 : vector<64x1x1xf32> to vector<64x1xf32>
    %slice3A_174 = vector.extract_strided_slice %reshape3A {offsets = [0, 22, 0], sizes = [64, 1, 768], strides = [1, 1, 1]} : vector<64x32x768xf32> to vector<64x1x768xf32>
    %squeeze3A_175 = vector.shape_cast %slice3A_174 : vector<64x1x768xf32> to vector<64x768xf32>
    %mul3A_176 = vector.broadcast %squeeze3A_173 : vector<64x1xf32> to vector<64x768xf32>
    %mul3A_177 = arith.mulf %mul3A_176, %squeeze3A_175 : vector<64x768xf32>
    %add3A_178 = arith.addf %add3A_171, %mul3A_177 : vector<64x768xf32>
    %slice3A_179 = vector.extract_strided_slice %div3A_16 {offsets = [0, 23, 0], sizes = [64, 1, 1], strides = [1, 1, 1]} : vector<64x32x1xf32> to vector<64x1x1xf32>
    %squeeze3A_180 = vector.shape_cast %slice3A_179 : vector<64x1x1xf32> to vector<64x1xf32>
    %slice3A_181 = vector.extract_strided_slice %reshape3A {offsets = [0, 23, 0], sizes = [64, 1, 768], strides = [1, 1, 1]} : vector<64x32x768xf32> to vector<64x1x768xf32>
    %squeeze3A_182 = vector.shape_cast %slice3A_181 : vector<64x1x768xf32> to vector<64x768xf32>
    %mul3A_183 = vector.broadcast %squeeze3A_180 : vector<64x1xf32> to vector<64x768xf32>
    %mul3A_184 = arith.mulf %mul3A_183, %squeeze3A_182 : vector<64x768xf32>
    %add3A_185 = arith.addf %add3A_178, %mul3A_184 : vector<64x768xf32>
    %slice3A_186 = vector.extract_strided_slice %div3A_16 {offsets = [0, 24, 0], sizes = [64, 1, 1], strides = [1, 1, 1]} : vector<64x32x1xf32> to vector<64x1x1xf32>
    %squeeze3A_187 = vector.shape_cast %slice3A_186 : vector<64x1x1xf32> to vector<64x1xf32>
    %slice3A_188 = vector.extract_strided_slice %reshape3A {offsets = [0, 24, 0], sizes = [64, 1, 768], strides = [1, 1, 1]} : vector<64x32x768xf32> to vector<64x1x768xf32>
    %squeeze3A_189 = vector.shape_cast %slice3A_188 : vector<64x1x768xf32> to vector<64x768xf32>
    %mul3A_190 = vector.broadcast %squeeze3A_187 : vector<64x1xf32> to vector<64x768xf32>
    %mul3A_191 = arith.mulf %mul3A_190, %squeeze3A_189 : vector<64x768xf32>
    %add3A_192 = arith.addf %add3A_185, %mul3A_191 : vector<64x768xf32>
    %slice3A_193 = vector.extract_strided_slice %div3A_16 {offsets = [0, 25, 0], sizes = [64, 1, 1], strides = [1, 1, 1]} : vector<64x32x1xf32> to vector<64x1x1xf32>
    %squeeze3A_194 = vector.shape_cast %slice3A_193 : vector<64x1x1xf32> to vector<64x1xf32>
    %slice3A_195 = vector.extract_strided_slice %reshape3A {offsets = [0, 25, 0], sizes = [64, 1, 768], strides = [1, 1, 1]} : vector<64x32x768xf32> to vector<64x1x768xf32>
    %squeeze3A_196 = vector.shape_cast %slice3A_195 : vector<64x1x768xf32> to vector<64x768xf32>
    %mul3A_197 = vector.broadcast %squeeze3A_194 : vector<64x1xf32> to vector<64x768xf32>
    %mul3A_198 = arith.mulf %mul3A_197, %squeeze3A_196 : vector<64x768xf32>
    %add3A_199 = arith.addf %add3A_192, %mul3A_198 : vector<64x768xf32>
    %slice3A_200 = vector.extract_strided_slice %div3A_16 {offsets = [0, 26, 0], sizes = [64, 1, 1], strides = [1, 1, 1]} : vector<64x32x1xf32> to vector<64x1x1xf32>
    %squeeze3A_201 = vector.shape_cast %slice3A_200 : vector<64x1x1xf32> to vector<64x1xf32>
    %slice3A_202 = vector.extract_strided_slice %reshape3A {offsets = [0, 26, 0], sizes = [64, 1, 768], strides = [1, 1, 1]} : vector<64x32x768xf32> to vector<64x1x768xf32>
    %squeeze3A_203 = vector.shape_cast %slice3A_202 : vector<64x1x768xf32> to vector<64x768xf32>
    %mul3A_204 = vector.broadcast %squeeze3A_201 : vector<64x1xf32> to vector<64x768xf32>
    %mul3A_205 = arith.mulf %mul3A_204, %squeeze3A_203 : vector<64x768xf32>
    %add3A_206 = arith.addf %add3A_199, %mul3A_205 : vector<64x768xf32>
    %slice3A_207 = vector.extract_strided_slice %div3A_16 {offsets = [0, 27, 0], sizes = [64, 1, 1], strides = [1, 1, 1]} : vector<64x32x1xf32> to vector<64x1x1xf32>
    %squeeze3A_208 = vector.shape_cast %slice3A_207 : vector<64x1x1xf32> to vector<64x1xf32>
    %slice3A_209 = vector.extract_strided_slice %reshape3A {offsets = [0, 27, 0], sizes = [64, 1, 768], strides = [1, 1, 1]} : vector<64x32x768xf32> to vector<64x1x768xf32>
    %squeeze3A_210 = vector.shape_cast %slice3A_209 : vector<64x1x768xf32> to vector<64x768xf32>
    %mul3A_211 = vector.broadcast %squeeze3A_208 : vector<64x1xf32> to vector<64x768xf32>
    %mul3A_212 = arith.mulf %mul3A_211, %squeeze3A_210 : vector<64x768xf32>
    %add3A_213 = arith.addf %add3A_206, %mul3A_212 : vector<64x768xf32>
    %slice3A_214 = vector.extract_strided_slice %div3A_16 {offsets = [0, 28, 0], sizes = [64, 1, 1], strides = [1, 1, 1]} : vector<64x32x1xf32> to vector<64x1x1xf32>
    %squeeze3A_215 = vector.shape_cast %slice3A_214 : vector<64x1x1xf32> to vector<64x1xf32>
    %slice3A_216 = vector.extract_strided_slice %reshape3A {offsets = [0, 28, 0], sizes = [64, 1, 768], strides = [1, 1, 1]} : vector<64x32x768xf32> to vector<64x1x768xf32>
    %squeeze3A_217 = vector.shape_cast %slice3A_216 : vector<64x1x768xf32> to vector<64x768xf32>
    %mul3A_218 = vector.broadcast %squeeze3A_215 : vector<64x1xf32> to vector<64x768xf32>
    %mul3A_219 = arith.mulf %mul3A_218, %squeeze3A_217 : vector<64x768xf32>
    %add3A_220 = arith.addf %add3A_213, %mul3A_219 : vector<64x768xf32>
    %slice3A_221 = vector.extract_strided_slice %div3A_16 {offsets = [0, 29, 0], sizes = [64, 1, 1], strides = [1, 1, 1]} : vector<64x32x1xf32> to vector<64x1x1xf32>
    %squeeze3A_222 = vector.shape_cast %slice3A_221 : vector<64x1x1xf32> to vector<64x1xf32>
    %slice3A_223 = vector.extract_strided_slice %reshape3A {offsets = [0, 29, 0], sizes = [64, 1, 768], strides = [1, 1, 1]} : vector<64x32x768xf32> to vector<64x1x768xf32>
    %squeeze3A_224 = vector.shape_cast %slice3A_223 : vector<64x1x768xf32> to vector<64x768xf32>
    %mul3A_225 = vector.broadcast %squeeze3A_222 : vector<64x1xf32> to vector<64x768xf32>
    %mul3A_226 = arith.mulf %mul3A_225, %squeeze3A_224 : vector<64x768xf32>
    %add3A_227 = arith.addf %add3A_220, %mul3A_226 : vector<64x768xf32>
    %slice3A_228 = vector.extract_strided_slice %div3A_16 {offsets = [0, 30, 0], sizes = [64, 1, 1], strides = [1, 1, 1]} : vector<64x32x1xf32> to vector<64x1x1xf32>
    %squeeze3A_229 = vector.shape_cast %slice3A_228 : vector<64x1x1xf32> to vector<64x1xf32>
    %slice3A_230 = vector.extract_strided_slice %reshape3A {offsets = [0, 30, 0], sizes = [64, 1, 768], strides = [1, 1, 1]} : vector<64x32x768xf32> to vector<64x1x768xf32>
    %squeeze3A_231 = vector.shape_cast %slice3A_230 : vector<64x1x768xf32> to vector<64x768xf32>
    %mul3A_232 = vector.broadcast %squeeze3A_229 : vector<64x1xf32> to vector<64x768xf32>
    %mul3A_233 = arith.mulf %mul3A_232, %squeeze3A_231 : vector<64x768xf32>
    %add3A_234 = arith.addf %add3A_227, %mul3A_233 : vector<64x768xf32>
    %slice3A_235 = vector.extract_strided_slice %div3A_16 {offsets = [0, 31, 0], sizes = [64, 1, 1], strides = [1, 1, 1]} : vector<64x32x1xf32> to vector<64x1x1xf32>
    %squeeze3A_236 = vector.shape_cast %slice3A_235 : vector<64x1x1xf32> to vector<64x1xf32>
    %slice3A_237 = vector.extract_strided_slice %reshape3A {offsets = [0, 31, 0], sizes = [64, 1, 768], strides = [1, 1, 1]} : vector<64x32x768xf32> to vector<64x1x768xf32>
    %squeeze3A_238 = vector.shape_cast %slice3A_237 : vector<64x1x768xf32> to vector<64x768xf32>
    %mul3A_239 = vector.broadcast %squeeze3A_236 : vector<64x1xf32> to vector<64x768xf32>
    %mul3A_240 = arith.mulf %mul3A_239, %squeeze3A_238 : vector<64x768xf32>
    %add3A_241 = arith.addf %add3A_234, %mul3A_240 : vector<64x768xf32>
    %slice3A_242 = vector.extract_strided_slice %add3A_241 {offsets = [0, 0], sizes = [64, 192], strides = [1, 1]} : vector<64x768xf32> to vector<64x192xf32>
    %slice3A_243 = vector.extract_strided_slice %add3A_241 {offsets = [0, 192], sizes = [64, 256], strides = [1, 1]} : vector<64x768xf32> to vector<64x256xf32>
    %slice3A_244 = vector.extract_strided_slice %add3A_241 {offsets = [0, 448], sizes = [64, 256], strides = [1, 1]} : vector<64x768xf32> to vector<64x256xf32>
    %get3A_245 = arith.constant 0 : index
    %get3A_246 = arith.constant 0 : index
    %get3A_247 = vector.load %arg4[%get3A_245, %get3A_246] : memref<64x256xf32, #tpu.memory_space<vmem>>, vector<64x256xf32>
    %get3A_248 = arith.constant 0 : index
    %get3A_249 = arith.constant 0 : index
    %get3A_250 = vector.load %arg5[%get3A_248, %get3A_249] : memref<64x256xf32, #tpu.memory_space<vmem>>, vector<64x256xf32>
    %mul3A_251 = arith.mulf %get3A_247, %slice3A_243 : vector<64x256xf32>
    %mul3A_252 = arith.mulf %get3A_250, %slice3A_244 : vector<64x256xf32>
    %add3A_253 = arith.addf %mul3A_251, %mul3A_252 : vector<64x256xf32>
    %mul3A_254 = arith.mulf %get3A_247, %slice3A_244 : vector<64x256xf32>
    %mul3A_255 = arith.mulf %get3A_250, %slice3A_243 : vector<64x256xf32>
    %sub3A_256 = arith.subf %mul3A_254, %mul3A_255 : vector<64x256xf32>
    %get3A_257 = arith.constant 0 : index
    %get3A_258 = arith.constant 0 : index
    %get3A_259 = vector.load %arg6[%get3A_257, %get3A_258] : memref<256x192xf32, #tpu.memory_space<vmem>>, vector<256x192xf32>
    %dot_general3A = arith.constant dense<0.000000e+00> : vector<64x192xf32>
    %dot_general3A_260 = tpu.matmul %add3A_253, %get3A_259, %dot_general3A {dimension_numbers = #tpu.dot_dimension_numbers<[1], [0], [0], [1], [0, 0, 1, 1], [], []>, precision = #tpu.contract_precision<fp32>, transpose_lhs_hint = false} : vector<64x256xf32>, vector<256x192xf32>, vector<64x192xf32> -> vector<64x192xf32>
    %get3A_261 = arith.constant 0 : index
    %get3A_262 = arith.constant 0 : index
    %get3A_263 = vector.load %arg7[%get3A_261, %get3A_262] : memref<256x192xf32, #tpu.memory_space<vmem>>, vector<256x192xf32>
    %dot_general3A_264 = arith.constant dense<0.000000e+00> : vector<64x192xf32>
    %dot_general3A_265 = tpu.matmul %sub3A_256, %get3A_263, %dot_general3A_264 {dimension_numbers = #tpu.dot_dimension_numbers<[1], [0], [0], [1], [0, 0, 1, 1], [], []>, precision = #tpu.contract_precision<fp32>, transpose_lhs_hint = false} : vector<64x256xf32>, vector<256x192xf32>, vector<64x192xf32> -> vector<64x192xf32>
    %add3A_266 = arith.addf %dot_general3A_260, %dot_general3A_265 : vector<64x192xf32>
    %get3A_267 = arith.constant 0 : index
    %get3A_268 = arith.constant 0 : index
    %get3A_269 = vector.load %arg8[%get3A_267, %get3A_268] : memref<1x192xf32, #tpu.memory_space<vmem>>, vector<1x192xf32>
    %add3A_270 = vector.broadcast %get3A_269 : vector<1x192xf32> to vector<64x192xf32>
    %add3A_271 = arith.addf %add3A_266, %add3A_270 : vector<64x192xf32>
    %add3A_272 = arith.addf %slice3A_242, %add3A_271 : vector<64x192xf32>
    %get3A_273 = arith.constant 0 : index
    %get3A_274 = arith.constant 0 : index
    %get3A_275 = vector.load %arg9[%get3A_273, %get3A_274] : memref<1024x192xf32, #tpu.memory_space<vmem>>, vector<1024x192xf32>
    %dot_general3A_276 = arith.constant dense<0.000000e+00> : vector<64x1024xf32>
    %dot_general3A_277 = tpu.matmul %add3A_272, %get3A_275, %dot_general3A_276 {dimension_numbers = #tpu.dot_dimension_numbers<[1], [1], [0], [0], [0, 0, 1, 0], [], []>, precision = #tpu.contract_precision<fp32>, transpose_lhs_hint = false} : vector<64x192xf32>, vector<1024x192xf32>, vector<64x1024xf32> -> vector<64x1024xf32>
    %get3A_278 = arith.constant 0 : index
    %get3A_279 = arith.constant 0 : index
    %get3A_280 = vector.load %arg10[%get3A_278, %get3A_279] : memref<1x1024xf32, #tpu.memory_space<vmem>>, vector<1x1024xf32>
    %add3A_281 = vector.broadcast %get3A_280 : vector<1x1024xf32> to vector<64x1024xf32>
    %add3A_282 = arith.addf %dot_general3A_277, %add3A_281 : vector<64x1024xf32>
    %get3A_283 = arith.constant 0 : index
    %get3A_284 = arith.constant 0 : index
    %get3A_285 = vector.load %arg11[%get3A_283, %get3A_284] : memref<1x1024xf32, #tpu.memory_space<vmem>>, vector<1x1024xf32>
    %get3A_286 = arith.constant 0 : index
    %get3A_287 = arith.constant 0 : index
    %get3A_288 = vector.load %arg12[%get3A_286, %get3A_287] : memref<1x1024xf32, #tpu.memory_space<vmem>>, vector<1x1024xf32>
    %reduce_sum3A_289 = arith.constant dense<0.000000e+00> : vector<64xf32>
    %reduce_sum3A_290 = vector.multi_reduction <add>, %add3A_282, %reduce_sum3A_289 [1] : vector<64x1024xf32> to vector<64xf32>
    %broadcast_in_dim3A_291 = vector.shape_cast %reduce_sum3A_290 : vector<64xf32> to vector<64x1xf32>
    %div3A_292 = arith.constant 1.024000e+03 : f32
    %div3A_293 = vector.broadcast %div3A_292 : f32 to vector<64x1xf32>
    %div3A_294 = arith.divf %broadcast_in_dim3A_291, %div3A_293 : vector<64x1xf32>
    %sub3A_295 = vector.broadcast %div3A_294 : vector<64x1xf32> to vector<64x1024xf32>
    %sub3A_296 = arith.subf %add3A_282, %sub3A_295 : vector<64x1024xf32>
    %integer_pow3A = arith.mulf %sub3A_296, %sub3A_296 : vector<64x1024xf32>
    %reduce_sum3A_297 = arith.constant dense<0.000000e+00> : vector<64xf32>
    %reduce_sum3A_298 = vector.multi_reduction <add>, %integer_pow3A, %reduce_sum3A_297 [1] : vector<64x1024xf32> to vector<64xf32>
    %broadcast_in_dim3A_299 = vector.shape_cast %reduce_sum3A_298 : vector<64xf32> to vector<64x1xf32>
    %div3A_300 = arith.constant 1.024000e+03 : f32
    %div3A_301 = vector.broadcast %div3A_300 : f32 to vector<64x1xf32>
    %div3A_302 = arith.divf %broadcast_in_dim3A_299, %div3A_301 : vector<64x1xf32>
    %sub3A_303 = vector.broadcast %div3A_294 : vector<64x1xf32> to vector<64x1024xf32>
    %sub3A_304 = arith.subf %add3A_282, %sub3A_303 : vector<64x1024xf32>
    %add3A_305 = arith.constant 9.99999974E-6 : f32
    %add3A_306 = vector.broadcast %add3A_305 : f32 to vector<64x1xf32>
    %add3A_307 = arith.addf %div3A_302, %add3A_306 : vector<64x1xf32>
    %rsqrt3A = math.rsqrt %add3A_307 : vector<64x1xf32>
    %mul3A_308 = vector.broadcast %rsqrt3A : vector<64x1xf32> to vector<64x1024xf32>
    %mul3A_309 = arith.mulf %sub3A_304, %mul3A_308 : vector<64x1024xf32>
    %mul3A_310 = vector.broadcast %get3A_285 : vector<1x1024xf32> to vector<64x1024xf32>
    %mul3A_311 = arith.mulf %mul3A_309, %mul3A_310 : vector<64x1024xf32>
    %add3A_312 = vector.broadcast %get3A_288 : vector<1x1024xf32> to vector<64x1024xf32>
    %add3A_313 = arith.addf %mul3A_311, %add3A_312 : vector<64x1024xf32>
    %mul3A_314 = arith.constant 5.000000e-01 : f32
    %mul3A_315 = vector.broadcast %mul3A_314 : f32 to vector<64x1024xf32>
    %mul3A_316 = arith.mulf %mul3A_315, %add3A_313 : vector<64x1024xf32>
    %mul3A_317 = arith.constant 0.707106769 : f32
    %mul3A_318 = vector.broadcast %mul3A_317 : f32 to vector<64x1024xf32>
    %mul3A_319 = arith.mulf %add3A_313, %mul3A_318 : vector<64x1024xf32>
    %erf3A = math.erf %mul3A_319 : vector<64x1024xf32>
    %add3A_320 = arith.constant 1.000000e+00 : f32
    %add3A_321 = vector.broadcast %add3A_320 : f32 to vector<64x1024xf32>
    %add3A_322 = arith.addf %add3A_321, %erf3A : vector<64x1024xf32>
    %mul3A_323 = arith.mulf %mul3A_316, %add3A_322 : vector<64x1024xf32>
    %swap3A = arith.constant 0 : index
    %swap3A_324 = arith.constant 0 : index
    %swap3A_325 = vector.load %arg13[%swap3A, %swap3A_324] : memref<64x1024xf32, #tpu.memory_space<vmem>>, vector<64x1024xf32>
    tpu.vector_store %arg13[%swap3A, %swap3A_324], %mul3A_323 {strides = array<i32>} : memref<64x1024xf32, #tpu.memory_space<vmem>>, vector<64x1024xf32>,
    return
  }
  func.func @transform_0(%arg0: i32) -> (i32, i32) {
    %c0_i32 = arith.constant 0 : i32
    %c0_i32_0 = arith.constant 0 : i32
    return %arg0, %c0_i32 : i32, i32
  }
  func.func @transform_1(%arg0: i32) -> (i32, i32) {
    %c0_i32 = arith.constant 0 : i32
    %c0_i32_0 = arith.constant 0 : i32
    return %arg0, %c0_i32 : i32, i32
  }
  func.func @transform_2(%arg0: i32) -> (i32, i32) {
    %c0_i32 = arith.constant 0 : i32
    %c0_i32_0 = arith.constant 0 : i32
    return %arg0, %c0_i32 : i32, i32
  }
  func.func @transform_3(%arg0: i32) -> (i32, i32) {
    %c0_i32 = arith.constant 0 : i32
    %c0_i32_0 = arith.constant 0 : i32
    return %arg0, %c0_i32 : i32, i32
  }
  func.func @transform_4(%arg0: i32) -> (i32, i32) {
    %c0_i32 = arith.constant 0 : i32
    %c0_i32_0 = arith.constant 0 : i32
    return %arg0, %c0_i32 : i32, i32
  }
  func.func @transform_5(%arg0: i32) -> (i32, i32) {
    %c0_i32 = arith.constant 0 : i32
    %c0_i32_0 = arith.constant 0 : i32
    %c0_i32_1 = arith.constant 0 : i32
    return %c0_i32, %c0_i32_0 : i32, i32
  }
  func.func @transform_6(%arg0: i32) -> (i32, i32) {
    %c0_i32 = arith.constant 0 : i32
    %c0_i32_0 = arith.constant 0 : i32
    %c0_i32_1 = arith.constant 0 : i32
    return %c0_i32, %c0_i32_0 : i32, i32
  }
  func.func @transform_7(%arg0: i32) -> (i32, i32) {
    %c0_i32 = arith.constant 0 : i32
    %c0_i32_0 = arith.constant 0 : i32
    %c0_i32_1 = arith.constant 0 : i32
    return %c0_i32, %c0_i32_0 : i32, i32
  }
  func.func @transform_8(%arg0: i32) -> (i32, i32) {
    %c0_i32 = arith.constant 0 : i32
    %c0_i32_0 = arith.constant 0 : i32
    %c0_i32_1 = arith.constant 0 : i32
    return %c0_i32, %c0_i32_0 : i32, i32
  }
  func.func @transform_9(%arg0: i32) -> (i32, i32) {
    %c0_i32 = arith.constant 0 : i32
    %c0_i32_0 = arith.constant 0 : i32
    %c0_i32_1 = arith.constant 0 : i32
    return %c0_i32, %c0_i32_0 : i32, i32
  }
  func.func @transform_10(%arg0: i32) -> (i32, i32) {
    %c0_i32 = arith.constant 0 : i32
    %c0_i32_0 = arith.constant 0 : i32
    %c0_i32_1 = arith.constant 0 : i32
    return %c0_i32, %c0_i32_0 : i32, i32
  }
  func.func @transform_11(%arg0: i32) -> (i32, i32) {
    %c0_i32 = arith.constant 0 : i32
    %c0_i32_0 = arith.constant 0 : i32
    %c0_i32_1 = arith.constant 0 : i32
    return %c0_i32, %c0_i32_0 : i32, i32
  }
  func.func @transform_12(%arg0: i32) -> (i32, i32) {
    %c0_i32 = arith.constant 0 : i32
    %c0_i32_0 = arith.constant 0 : i32
    return %arg0, %c0_i32 : i32, i32
  }
}

</mosaic_0001>

<sc_bundles>
// kernel: kernel.11.cloned.1.call-start
scs
__scs_entry_jumppad:
0x0: {  	(pc) =	sbr.rel $0x88, $3  }
0x1: {  	(tag) =	ssettag $0x0;
	lr =	simm.s32 $0x1  }
0x2: {  	[smem:$0x3F8C] =	sst lr;
	_ =	strace $0xD0000000  }
0x3: {  	_ = 	snop  }
0x4: {  	_ = 	snop  }
0x5: {  	_ = 	snop  }
0x6: {  	_ = 	snop  }
0x7: {  	_ = 	snop  }
__scs_overlays_trampoline_lowered:
0x8: {  	[smem:$0x3F9B] =	sst s0  }
0x9: {  	[smem:$0x3F9C] =	sst s1  }
0xa: {  	[smem:$0x3F9D] =	sst s2  }
0xb: {  	[smem:$0x3F9E] =	sst s3  }
0xc: {  	[smem:$0x3F9F] =	sst s4  }
0xd: {  	[smem:$0x3FA0] =	sst s5  }
0xe: {  	[smem:$0x3FA1] =	sst s6  }
0xf: {  	[smem:$0x3FA2] =	sst s7  }
0x10: {  	[smem:$0x3FA3] =	sst s8  }
0x11: {  	[smem:$0x3FA4] =	sst s9;
	s0 =	simm.s32 @!p0 $0x0  }
0x12: {  	s1 =	sld [smem:$0x3F8A];
	s0 =	simm.s32 @p0 $0x1  }
0x13: {  	[smem:$0x3FA5] =	sst s0;
	s0 =	simm.s32 @!p1 $0x0  }
0x14: {  	s2 =	sld [smem:$0x3F89];
	s0 =	simm.s32 @p1 $0x1  }
0x15: {  	[smem:$0x3FA6] =	sst s0;
	s0 =	simm.s32 @!p2 $0x0  }
0x16: {  	s3 =	sld [smem:$0x3FDB];
	s0 =	simm.s32 @p2 $0x1  }
0x17: {  	s4 =	simm.s32 $0x1BF5;
	[smem:$0x3FA8] =	sst s0  }
0x18: {  	s0 =	sld [smem:$0x3F8B];
	_ =	swait.ge [sflag:s4], $0x0  }
0x19: {  	s7 =	sld [smem:$0x3F8C]  }
0x1a: {  	s8 =	sadd.s32 $0xFFFFE003, lr  }
0x1b: {  	s9 =	sadd.s32 $0xFFFFFEF7, lr;
	s5 =	simm.s32 $0xFFFFFFFF;
	p2 =	slt.u32 s8, $0xFFFFF086  }
0x1c: {  	p1 =	slt.u32 s9, $0xF7A;
	s5 =	simm.s32 @!p2 $0x0  }
0x1d: {  	s5 =	simm.s32 @p1 $0x1;
	p0 =	seq.s32 s7, s2  }
0x1e: {  	s7 =	smul.u32 @!p0 $0xF7A, s2;
	p2 =	seq.s32 @!p0 s5, $0x0  }
0x1f: {  	s9 =	smul.u32 $0xF7A, s1;
	s8 =	simm.s32 @!p0 $0x1BF5;
	p2 =	por !p2, p0  }
0x20: {  	[sflag:s8] =	ssyncset.s32 @!p0 $0xFFFFF086;
	s6 =	sadd.s32 @!p0 s3, s7;
	s7 =	simm.s32 @!p0 $0x108  }
0x21: {  	s3 =	sadd.s32 s3, s9;
	s6 =	sadd.s32 @!p0 $0x88, s6;
	s7 =	simm.s32 @p2 $0x1082  }
0x22: {  	[simem:s7], [sflag:s8] =	dma.local @!p0 [hbm:s6], $0xF7A  }
0x23: {  	s9 =	sor.u32 $0xD0000000, s2;
	s6 =	simm.s32 $0x108;
	_ =	swait.ge @!p0 [sflag:s8], $0x0  }
0x24: {  	s3 =	sadd.s32 $0x88, s3;
	s6 =	simm.s32 @!p1 $0x1082;
	[sflag:s4] =	ssyncset.s32 $0xFFFFF086  }
0x25: {  	[simem:s6], [sflag:s4] =	dma.local [hbm:s3], $0xF7A  }
0x26: {  	[smem:$0x3F8C] =	sst s1;
	(tag) =	ssettag s2;
	_ =	strace s9  }
0x27: {  	s1 =	sld [smem:$0x3F9C]  }
0x28: {  	s2 =	sld [smem:$0x3F9D]  }
0x29: {  	s4 =	sld [smem:$0x3F9F]  }
0x2a: {  	p0 =	seq.s32 s5, $0x0;
	s5 =	sld [smem:$0x3FA0]  }
0x2b: {  	s6 =	sld [smem:$0x3FA1]  }
0x2c: {  	s7 =	sld [smem:$0x3FA2]  }
0x2d: {  	s3 =	simm.s32 $0x108;
	s8 =	sld [smem:$0x3FA3]  }
0x2e: {  	s3 =	simm.s32 @!p0 $0x1082;
	s9 =	sld [smem:$0x3FA4]  }
0x2f: {  	lr =	sadd.s32 s0, s3;
	s0 =	sld [smem:$0x3F9B]  }
0x30: {  	s3 =	sld [smem:$0x3F9E]  }
0x31: {  	[smem:$0x3FA7] =	sst s10  }
0x32: {  	s10 =	sld [smem:$0x3FA5];
	_ =	sdelay $0x3  }
0x33: {  	p0 =	seq.s32 s10, $0x1;
	s10 =	sld [smem:$0x3FA7];
	_ =	sdelay $0x3  }
0x34: {  	[smem:$0x3FA7] =	sst s10  }
0x35: {  	s10 =	sld [smem:$0x3FA6];
	_ =	sdelay $0x3  }
0x36: {  	p1 =	seq.s32 s10, $0x1;
	s10 =	sld [smem:$0x3FA7];
	_ =	sdelay $0x3  }
0x37: {  	[smem:$0x3FA7] =	sst s10  }
0x38: {  	s10 =	sld [smem:$0x3FA8]  }
0x39: {  	_ = 	snop;
	(pc) =	sbr.ind lr, $3  }
0x3a: {  	_ = 	snop  }
0x3b: {  	_ = 	snop  }
0x3c: {  	p2 =	seq.s32 s10, $0x1;
	s10 =	sld [smem:$0x3FA7]  }
0x3d: {  	_ =	shalt  }
0x3e: {  	_ =	shalt  }
0x3f: {  	_ =	shalt  }
0x40: {  	_ =	shalt  }
0x41: {  	_ =	shalt  }
0x42: {  	_ =	shalt  }
0x43: {  	_ =	shalt  }
0x44: {  	_ =	shalt  }
0x45: {  	_ =	shalt  }
0x46: {  	_ =	shalt  }
0x47: {  	_ =	shalt  }
0x48: {  	_ =	shalt  }
0x49: {  	_ =	shalt  }
0x4a: {  	_ =	shalt  }
0x4b: {  	_ =	shalt  }
0x4c: {  	_ =	shalt  }
0x4d: {  	_ =	shalt  }
0x4e: {  	_ =	shalt  }
0x4f: {  	_ =	shalt  }
0x50: {  	_ =	shalt  }
0x51: {  	_ =	shalt  }
0x52: {  	_ =	shalt  }
0x53: {  	_ =	shalt  }
0x54: {  	_ =	shalt  }
0x55: {  	_ =	shalt  }
0x56: {  	_ =	shalt  }
0x57: {  	_ =	shalt  }
0x58: {  	_ =	shalt  }
0x59: {  	_ =	shalt  }
0x5a: {  	_ =	shalt  }
0x5b: {  	_ =	shalt  }
0x5c: {  	_ =	shalt  }
0x5d: {  	_ =	shalt  }
0x5e: {  	_ =	shalt  }
0x5f: {  	_ =	shalt  }
0x60: {  	_ =	shalt  }
0x61: {  	_ =	shalt  }
0x62: {  	_ =	shalt  }
0x63: {  	_ =	shalt  }
0x64: {  	_ =	shalt  }
0x65: {  	_ =	shalt  }
0x66: {  	_ =	shalt  }
0x67: {  	_ =	shalt  }
0x68: {  	_ =	shalt  }
0x69: {  	_ =	shalt  }
0x6a: {  	_ =	shalt  }
0x6b: {  	_ =	shalt  }
0x6c: {  	_ =	shalt  }
0x6d: {  	_ =	shalt  }
0x6e: {  	_ =	shalt  }
0x6f: {  	_ =	shalt  }
0x70: {  	_ =	shalt  }
0x71: {  	_ =	shalt  }
0x72: {  	_ =	shalt  }
0x73: {  	_ =	shalt  }
0x74: {  	_ =	shalt  }
0x75: {  	_ =	shalt  }
0x76: {  	_ =	shalt  }
0x77: {  	_ =	shalt  }
0x78: {  	_ =	shalt  }
0x79: {  	_ =	shalt  }
0x7a: {  	_ =	shalt  }
0x7b: {  	_ =	shalt  }
0x7c: {  	_ =	shalt  }
0x7d: {  	_ =	shalt  }
0x7e: {  	_ =	shalt  }
0x7f: {  	_ =	shalt  }
0x80: {  	_ =	shalt  }
0x81: {  	_ =	shalt  }
0x82: {  	_ =	shalt  }
0x83: {  	_ =	shalt  }
0x84: {  	_ =	shalt  }
0x85: {  	_ =	shalt  }
0x86: {  	_ =	shalt  }
0x87: {  	_ =	shalt  }
.Lfunc_end0:
.L_simem_size_0:
called_computation.1_lowered:
.L_overlay_start_0:
0x88: {  	s2 =	sld [smem:$0x3FD9]  }
0x89: {  	s3 =	sld [smem:$0x3FFE];
	_ =	sdelay $0x1  }
0x8a: {  	s1 =	srdreg.scid  }
0x8b: {  	s0 =	sand.u32 $0x1, s1  }
0x8c: {  	s16 =	sshll.u32 s0, $0xA;
	s2 =	sadd.s32 s3, s2  }
0x8d: {  	s2 =	sadd.s32 s2, s16  }
0x8e: {  	[smem:$0x3FB3] =	sst s2  }
0x8f: {  	_ = 	snop  }
0x90: {  	(tm) =	ssettm $0x1  }
0x91: {  	s17 =	sld [smem:$0x3FFB];
	_ =	sdelay $0x3  }
0x92: {  	_ =	strace s17  }
0x93: {  	s2 =	sld [smem:$0x3FFC];
	_ =	sdelay $0x3  }
0x94: {  	_ =	strace s2  }
0x95: {  	s2 =	sld [smem:$0x3FFD];
	_ =	sdelay $0x3  }
0x96: {  	_ =	strace s2  }
0x97: {  	_ =	strace $0x8FFFFFFF  }
0x98: {  	s18 =	sld [smem:$0x3FDB];
	_ =	sdelay $0x1  }
0x99: {  	s19 =	simm.s32 $_scs_section_size  }
0x9a: {  	s4 =	simm.s32 $_size__tile_overlayer_lowered;
	s5 =	simm.s32 $_tile_overlayer_lowered  }
0x9b: {  	s22 =	simm.s32 $0x1BFF;
	s21 =	sshll.u32 s5, $0x1;
	s2 =	sadd.s32 s19, s18  }
0x9c: {  	s6 =	simm.s32 $0x0;
	s20 =	sshll.u32 s4, $0x1;
	s4 =	sadd.s32 s21, s2  }
0x9d: {  	[timem:s6], [sflag:s22] =	dma.local [hbm:s4], s20  }
0x9e: {  	_ =	swait.ge [sflag:s22], s20  }
0x9f: {  	s3 =	ssub.s32 $0x0, s20;
	[sflag:s22] =	ssyncset.done $0x0  }
0xa0: {  	[sflag:s22] =	ssyncadd.s32 s3;
	_ =	sdelay $0x1  }
0xa1: {  	s23 =	simm.s32 $0x1B8B  }
0xa2: {  	_ =	swait.ge [sflag:s23], $0x1  }
0xa3: {  	[sflag:s23] =	ssyncset.done $0x0  }
0xa4: {  	s25 =	simm.s32 $0x1B8E;
	s24 =	sld [smem:$0x3FFE];
	[sflag:s23] =	ssyncadd.s32 $0xFFFFFFFF  }
0xa5: {  	s26 =	simm.s32 $execute0_lowered;
	[smem:$0x3FD2] =	sst s25  }
0xa6: {  	s4 =	sshll.u32 s26, $0x1;
	_ =	strace $0x80000046;
	[dreg:$0x1] =	wrdreg $0xFFFFFFFF  }
0xa7: {  	s28 =	simm.s32 $_size_execute0_lowered;
	s2 =	sadd.s32 s2, s4;
	[dreg:$0x0] =	wrdreg $0x0  }
0xa8: {  	s4 =	sshll.u32 s28, $0x1;
	[dreg:$0x2] =	wrdreg s2  }
0xa9: {  	[dreg:$0x3] =	wrdreg s4  }
0xaa: {  	[dreg:$0x4] =	wrdreg $0xC0  }
0xab: {  	_ =	task [dreg:s6], $0x5FFFF  }
0xac: {  	[dreg:$0x1] =	wrdreg $0xFFFFFFFF  }
0xad: {  	[dreg:$0x0] =	wrdreg $0x60  }
0xae: {  	[dreg:$0x2] =	wrdreg s24  }
0xaf: {  	[dreg:$0x3] =	wrdreg $0xA  }
0xb0: {  	_ =	task.clear_ibuf [dreg:s6], $0x4FFFF;
	_ =	strace $0x90000046  }
0xb1: {  	s29 =	simm.s32 $0xA;
	_ =	strace $0x8000004F  }
0xb2: {  	_ =	swait.ge [sflag:s29], $0x1  }
0xb3: {  	[sflag:s29] =	ssyncadd.s32 $0xFFFFFFFF  }
0xb4: {  	_ =	strace $0x9000004F  }
0xb5: {  	_ =	sfence  }
0xb6: {  	s30 =	sld [smem:$0x0];
	_ =	sdelay $0x2  }
0xb7: {  	s31 =	sshll.u32 s1, $0xD;
	s1 =	sshrl.u32 s1, $0x2  }
0xb8: {  	s3 =	sand.u32 $0x4000, s31;
	s1 =	sadd.s32 s1, s30  }
0xb9: {  	s0 =	sor.u32 s3, s0;
	s1 =	sshll.u32 s1, $0x11  }
0xba: {  	s0 =	sor.u32 s1, s0  }
0xbb: {  	s0 =	sadd.s32 $0x8F2B, s0  }
0xbc: {  	[sflag:s0] =	ssyncadd.remote.s32 $0x1  }
0xbd: {  	_ =	sfence.sel $0xFFFF  }
0xbe: {  	[dreg:$0x0] =	wrdreg $0xFFFFFFFF;
	(pc) =	sbr.abs _section_cstart, $3  }
0xbf: {  	[dreg:$0x1] =	wrdreg $0xFFFFFFFF  }
0xc0: {  	_ =	task.clear_ibuf [dreg:s6], $0x2FFFF;
	_ =	strace $0x9FFFFFFF  }
0xc1: {  	(tm) =	ssettm $0x7FFFFFFF  }
tec
execute0_lowered:
.L_overlay_start_1:
0x0: {  	(tag) =	ssettag $0x1  }
0x1: {  	s7 =	rddreg [dreg:$0x0]  }
0x2: {  	s0 =	rddreg [dreg:$0x1];
	s1 =	simm.s32 $0x0;
	s3 =	srdreg.scid  }
0x3: {  	s9 =	simm.s32 $0x5;
	s10 =	simm.s32 $0x4;
	s11 =	simm.s32 $0x0  }
0x4: {  	[smem:$0x7FF] =	sst s1;
	s2 =	sadd.s32 $0x16D400, s7;
	s4 =	sadd.s32 $0x15400, s7  }
0x5: {  	s5 =	sadd.s32 $0x22D400, s7;
	s6 =	sand.u32 $0x1, s3;
	s3 =	stileid.u32  }
0x6: {  	_ =	strace $0x80000047;
	s8 =	ssub.s32 $0x2, s6;
	s6 =	sshll.u32 s6, $0x4  }
0x7: {  	v2 =	vlaneseq.u32;
	[dreg:$0x2] =	wrdreg s5;
	s31 =	sshrl.u32 s8, $0x1;
	s6 =	sor.u32 s3, s6  }
0x8: {  	vm0 =	vmmov $0xffff;
	vm1 =	vmmov $0xff;
	v1 =	vshrl.u32 v2, $0x3;
	s8 =	ssub.s32 s8, s31;
	s5 =	sshll.u32 s6, $0x4;
	s6 =	sshll.u32 s6, $0x8  }
0x9: {  	s7 =	sadd.s32 $0x16D500, s7;
	v0 =	vand.u32 $0x7, v2;
	v2 =	vor.u32 $0x8, v2;
	v1 =	vmul.u32 $0x8, v1;
	s6 =	sadd.s32 s4, s6;
	s8 =	smax.u32 s8, $0x1  }
.LBB2_1:
0xa: {  	_ =	strace $0x80000048;
	s12 =	simm.s32 $0x10  }
0xb: {  	s13 =	simm.s32 $0x0;
	s14 =	simm.s32 $0x0;
	s15 =	simm.s32 $0x0  }
0xc: {  	[tilespmem:s1], [sflag:$0x1] =	stream.linear.gather [hbm4b:s6+s1], $0x80, $0x200038;
	[tilespmem:$0x18100] =	vst v63  }
0xd: {  	s16 =	simm.s32 $0x0;
	s17 =	simm.s32 $0x1;
	_ =	strace $0x90000048  }
.LBB2_2:
0xe: {  	s18 =	smov.u32 s13;
	s13 =	sadd.s32 $0x1, s13  }
0xf: {  	p0 =	seq.s32 s13, $0x10  }
0x10: {  	s13 =	simm.s32 @p0 $0x0  }
0x11: {  	p6 =	sne.s32 s12, $0x1;
	p1 =	sne.s32 s18, s13  }
0x12: {  	p0 =	por !p6, !p1  }
0x13: {  	p0 =	por !p0, !p0  }
0x14: {  	s19 =	sadd.s32 @p0 s5, s13  }
0x15: {  	s20 =	sand.u32 @p0 $0x1, s17;
	s19 =	sshll.u32 @p0 s19, $0x4  }
0x16: {  	_ =	strace @p0 $0x80000049;
	s22 =	simm.s32 @p0 $0x0;
	s19 =	sand.u32 @p0 $0x1FFFFFF0, s19  }
0x17: {  	s21 =	sshll.u32 @p0 s20, $0x7;
	s20 =	sadd.s32 @p0 $0x1, s20;
	s19 =	sadd.s32 @p0 s4, s19  }
0x18: {  	[tilespmem:s21], [sflag:s20] =	stream.linear.gather @p0 [hbm4b:s19+s22], $0x80, $0x200038;
	[tilespmem:$0x18100] =	vst v63  }
0x19: {  	s28 =	sand.u32 $0x1, s16;
	_ =	strace @p0 $0x90000049  }
0x1a: {  	s19 =	sadd.s32 $0x1, s28;
	_ =	strace $0x8000004A  }
0x1b: {  	_ =	swait.ge [sflag:s19], $0x80  }
0x1c: {  	[sflag:s19] =	ssyncset.done $0x0  }
0x1d: {  	[sflag:s19] =	ssyncadd.s32 $0xFFFFFF80  }
0x1e: {  	s29 =	sshll.u32 s16, $0x7;
	_ =	strace $0x9000004A  }
0x1f: {  	s22 =	sand.u32 $0x80, s29;
	_ =	strace $0x8000004B  }
0x20: {  	v3 =	vld [tilespmem:s22+$0x0];
	_ =	sdelay $0x4  }
0x21: {  	v4 =	vshrl.u32 v3, $0x3  }
0x22: {  	v4 =	vmul.u32 $0x18, v4  }
0x23: {  	v3 =	vand.u32 $0x7, v3  }
0x24: {  	v3 =	vor.u32 v3, v4  }
0x25: {  	v4 =	vperm.xlane v3, v0;
	_ =	sdelay $0x1  }
0x26: {  	s19 =	sand.u32 $0x1, s15;
	v4 =	vadd.s32 v1, v4  }
0x27: {  	s30 =	smul.u32 $0x30000, s19  }
0x28: {  	v3 =	vperm.xlane v3, v2  }
0x29: {  	s21 =	sshrl.u32 s30, $0x2  }
0x2a: {  	s20 =	sor.u32 $0x100, s21;
	v3 =	vadd.s32 v1, v3  }
0x2b: {  	[tilespmem:s20], [sflag:$0x5] =	stream.indirect_vreg.gather [hbm4b:s2+s1], $0x80, v4, vm0, $0x2000b8;
	[tilespmem:$0x18100] =	vst v63  }
0x2c: {  	s23 =	sor.u32 $0x900, s21  }
0x2d: {  	[tilespmem:s23], [sflag:$0x5] =	stream.indirect_vreg.gather [hbm4b:s7+s1], $0x80, v4, vm1, $0x2000b8;
	[tilespmem:$0x18100] =	vst v63  }
0x2e: {  	s31 =	sor.u32 $0xD00, s21  }
0x2f: {  	[tilespmem:s31], [sflag:$0x5] =	stream.indirect_vreg.gather [hbm4b:s2+s1], $0x80, v3, vm0, $0x2000b8;
	[tilespmem:$0x18100] =	vst v63  }
0x30: {  	s24 =	sor.u32 $0x1500, s21  }
0x31: {  	[tilespmem:s24], [sflag:$0x5] =	stream.indirect_vreg.gather [hbm4b:s7+s1], $0x80, v3, vm1, $0x2000b8;
	[tilespmem:$0x18100] =	vst v63  }
0x32: {  	v3 =	vld [tilespmem:s22+$0x10];
	_ =	sdelay $0x4  }
0x33: {  	v57 =	vshrl.u32 v3, $0x3  }
0x34: {  	v4 =	vmul.u32 $0x18, v57  }
0x35: {  	v3 =	vand.u32 $0x7, v3  }
0x36: {  	v3 =	vor.u32 v3, v4  }
0x37: {  	v4 =	vperm.xlane v3, v0;
	_ =	sdelay $0x1  }
0x38: {  	v4 =	vadd.s32 v1, v4;
	_ =	sdelay $0x1  }
0x39: {  	v3 =	vperm.xlane v3, v2;
	_ =	sdelay $0x1  }
0x3a: {  	s25 =	sor.u32 $0x1900, s21;
	v3 =	vadd.s32 v1, v3  }
0x3b: {  	[tilespmem:s25], [sflag:$0x5] =	stream.indirect_vreg.gather [hbm4b:s2+s1], $0x80, v4, vm0, $0x2000b8;
	[tilespmem:$0x18100] =	vst v63  }
0x3c: {  	s26 =	sor.u32 $0x2100, s21  }
0x3d: {  	[tilespmem:s26], [sflag:$0x5] =	stream.indirect_vreg.gather [hbm4b:s7+s1], $0x80, v4, vm1, $0x2000b8;
	[tilespmem:$0x18100] =	vst v63  }
0x3e: {  	s28 =	sor.u32 $0x2500, s21  }
0x3f: {  	[tilespmem:s28], [sflag:$0x5] =	stream.indirect_vreg.gather [hbm4b:s2+s1], $0x80, v3, vm0, $0x2000b8;
	[tilespmem:$0x18100] =	vst v63  }
0x40: {  	s29 =	sor.u32 $0x2D00, s21  }
0x41: {  	[tilespmem:s29], [sflag:$0x5] =	stream.indirect_vreg.gather [hbm4b:s7+s1], $0x80, v3, vm1, $0x2000b8;
	[tilespmem:$0x18100] =	vst v63  }
0x42: {  	v3 =	vld [tilespmem:s22+$0x20];
	_ =	sdelay $0x4  }
0x43: {  	v58 =	vshrl.u32 v3, $0x3  }
0x44: {  	v4 =	vmul.u32 $0x18, v58  }
0x45: {  	v3 =	vand.u32 $0x7, v3  }
0x46: {  	v3 =	vor.u32 v3, v4  }
0x47: {  	v4 =	vperm.xlane v3, v0;
	_ =	sdelay $0x1  }
0x48: {  	v4 =	vadd.s32 v1, v4;
	_ =	sdelay $0x1  }
0x49: {  	v3 =	vperm.xlane v3, v2;
	_ =	sdelay $0x1  }
0x4a: {  	s30 =	sor.u32 $0x3100, s21;
	v3 =	vadd.s32 v1, v3  }
0x4b: {  	[tilespmem:s30], [sflag:$0x5] =	stream.indirect_vreg.gather [hbm4b:s2+s1], $0x80, v4, vm0, $0x2000b8;
	[tilespmem:$0x18100] =	vst v63  }
0x4c: {  	s31 =	sor.u32 $0x3900, s21  }
0x4d: {  	[tilespmem:s31], [sflag:$0x5] =	stream.indirect_vreg.gather [hbm4b:s7+s1], $0x80, v4, vm1, $0x2000b8;
	[tilespmem:$0x18100] =	vst v63  }
0x4e: {  	s24 =	sor.u32 $0x3D00, s21  }
0x4f: {  	[tilespmem:s24], [sflag:$0x5] =	stream.indirect_vreg.gather [hbm4b:s2+s1], $0x80, v3, vm0, $0x2000b8;
	[tilespmem:$0x18100] =	vst v63  }
0x50: {  	s25 =	sadd.s32 $0x4500, s21  }
0x51: {  	[tilespmem:s25], [sflag:$0x5] =	stream.indirect_vreg.gather [hbm4b:s7+s1], $0x80, v3, vm1, $0x2000b8;
	[tilespmem:$0x18100] =	vst v63  }
0x52: {  	v3 =	vld [tilespmem:s22+$0x30];
	_ =	sdelay $0x4  }
0x53: {  	v59 =	vshrl.u32 v3, $0x3  }
0x54: {  	v4 =	vmul.u32 $0x18, v59  }
0x55: {  	v3 =	vand.u32 $0x7, v3  }
0x56: {  	v3 =	vor.u32 v3, v4  }
0x57: {  	v4 =	vperm.xlane v3, v0;
	_ =	sdelay $0x1  }
0x58: {  	v4 =	vadd.s32 v1, v4;
	_ =	sdelay $0x1  }
0x59: {  	v3 =	vperm.xlane v3, v2;
	_ =	sdelay $0x1  }
0x5a: {  	s26 =	sadd.s32 $0x4900, s21;
	v3 =	vadd.s32 v1, v3  }
0x5b: {  	[tilespmem:s26], [sflag:$0x5] =	stream.indirect_vreg.gather [hbm4b:s2+s1], $0x80, v4, vm0, $0x2000b8;
	[tilespmem:$0x18100] =	vst v63  }
0x5c: {  	s28 =	sadd.s32 $0x5100, s21  }
0x5d: {  	[tilespmem:s28], [sflag:$0x5] =	stream.indirect_vreg.gather [hbm4b:s7+s1], $0x80, v4, vm1, $0x2000b8;
	[tilespmem:$0x18100] =	vst v63  }
0x5e: {  	s29 =	sadd.s32 $0x5500, s21  }
0x5f: {  	[tilespmem:s29], [sflag:$0x5] =	stream.indirect_vreg.gather [hbm4b:s2+s1], $0x80, v3, vm0, $0x2000b8;
	[tilespmem:$0x18100] =	vst v63  }
0x60: {  	s30 =	sadd.s32 $0x5D00, s21  }
0x61: {  	[tilespmem:s30], [sflag:$0x5] =	stream.indirect_vreg.gather [hbm4b:s7+s1], $0x80, v3, vm1, $0x2000b8;
	[tilespmem:$0x18100] =	vst v63  }
0x62: {  	v3 =	vld [tilespmem:s22+$0x40];
	_ =	sdelay $0x4  }
0x63: {  	v60 =	vshrl.u32 v3, $0x3  }
0x64: {  	v4 =	vmul.u32 $0x18, v60  }
0x65: {  	v3 =	vand.u32 $0x7, v3  }
0x66: {  	v3 =	vor.u32 v3, v4  }
0x67: {  	v4 =	vperm.xlane v3, v0;
	_ =	sdelay $0x1  }
0x68: {  	v4 =	vadd.s32 v1, v4;
	_ =	sdelay $0x1  }
0x69: {  	v3 =	vperm.xlane v3, v2;
	_ =	sdelay $0x1  }
0x6a: {  	s31 =	sadd.s32 $0x6100, s21;
	v3 =	vadd.s32 v1, v3  }
0x6b: {  	[tilespmem:s31], [sflag:$0x5] =	stream.indirect_vreg.gather [hbm4b:s2+s1], $0x80, v4, vm0, $0x2000b8;
	[tilespmem:$0x18100] =	vst v63  }
0x6c: {  	s24 =	sadd.s32 $0x6900, s21  }
0x6d: {  	[tilespmem:s24], [sflag:$0x5] =	stream.indirect_vreg.gather [hbm4b:s7+s1], $0x80, v4, vm1, $0x2000b8;
	[tilespmem:$0x18100] =	vst v63  }
0x6e: {  	s25 =	sadd.s32 $0x6D00, s21  }
0x6f: {  	[tilespmem:s25], [sflag:$0x5] =	stream.indirect_vreg.gather [hbm4b:s2+s1], $0x80, v3, vm0, $0x2000b8;
	[tilespmem:$0x18100] =	vst v63  }
0x70: {  	s26 =	sadd.s32 $0x7500, s21  }
0x71: {  	[tilespmem:s26], [sflag:$0x5] =	stream.indirect_vreg.gather [hbm4b:s7+s1], $0x80, v3, vm1, $0x2000b8;
	[tilespmem:$0x18100] =	vst v63  }
0x72: {  	v3 =	vld [tilespmem:s22+$0x50];
	_ =	sdelay $0x4  }
0x73: {  	v61 =	vshrl.u32 v3, $0x3  }
0x74: {  	v4 =	vmul.u32 $0x18, v61  }
0x75: {  	v3 =	vand.u32 $0x7, v3  }
0x76: {  	v3 =	vor.u32 v3, v4  }
0x77: {  	v4 =	vperm.xlane v3, v0;
	_ =	sdelay $0x1  }
0x78: {  	v4 =	vadd.s32 v1, v4;
	_ =	sdelay $0x1  }
0x79: {  	v3 =	vperm.xlane v3, v2;
	_ =	sdelay $0x1  }
0x7a: {  	s28 =	sadd.s32 $0x7900, s21;
	v3 =	vadd.s32 v1, v3  }
0x7b: {  	[tilespmem:s28], [sflag:$0x5] =	stream.indirect_vreg.gather [hbm4b:s2+s1], $0x80, v4, vm0, $0x2000b8;
	[tilespmem:$0x18100] =	vst v63  }
0x7c: {  	s29 =	sadd.s32 $0x8100, s21  }
0x7d: {  	[tilespmem:s29], [sflag:$0x5] =	stream.indirect_vreg.gather [hbm4b:s7+s1], $0x80, v4, vm1, $0x2000b8;
	[tilespmem:$0x18100] =	vst v63  }
0x7e: {  	s30 =	sadd.s32 $0x8500, s21  }
0x7f: {  	[tilespmem:s30], [sflag:$0x5] =	stream.indirect_vreg.gather [hbm4b:s2+s1], $0x80, v3, vm0, $0x2000b8;
	[tilespmem:$0x18100] =	vst v63  }
0x80: {  	s31 =	sadd.s32 $0x8D00, s21  }
0x81: {  	[tilespmem:s31], [sflag:$0x5] =	stream.indirect_vreg.gather [hbm4b:s7+s1], $0x80, v3, vm1, $0x2000b8;
	[tilespmem:$0x18100] =	vst v63  }
0x82: {  	v3 =	vld [tilespmem:s22+$0x60];
	_ =	sdelay $0x4  }
0x83: {  	v62 =	vshrl.u32 v3, $0x3  }
0x84: {  	v4 =	vmul.u32 $0x18, v62  }
0x85: {  	v3 =	vand.u32 $0x7, v3  }
0x86: {  	v3 =	vor.u32 v3, v4  }
0x87: {  	v4 =	vperm.xlane v3, v0;
	_ =	sdelay $0x1  }
0x88: {  	v4 =	vadd.s32 v1, v4;
	_ =	sdelay $0x1  }
0x89: {  	v3 =	vperm.xlane v3, v2;
	_ =	sdelay $0x1  }
0x8a: {  	s24 =	sadd.s32 $0x9100, s21;
	v3 =	vadd.s32 v1, v3  }
0x8b: {  	[tilespmem:s24], [sflag:$0x5] =	stream.indirect_vreg.gather [hbm4b:s2+s1], $0x80, v4, vm0, $0x2000b8;
	[tilespmem:$0x18100] =	vst v63  }
0x8c: {  	s25 =	sadd.s32 $0x9900, s21  }
0x8d: {  	[tilespmem:s25], [sflag:$0x5] =	stream.indirect_vreg.gather [hbm4b:s7+s1], $0x80, v4, vm1, $0x2000b8;
	[tilespmem:$0x18100] =	vst v63  }
0x8e: {  	s26 =	sadd.s32 $0x9D00, s21  }
0x8f: {  	[tilespmem:s26], [sflag:$0x5] =	stream.indirect_vreg.gather [hbm4b:s2+s1], $0x80, v3, vm0, $0x2000b8;
	[tilespmem:$0x18100] =	vst v63  }
0x90: {  	s28 =	sadd.s32 $0xA500, s21  }
0x91: {  	[tilespmem:s28], [sflag:$0x5] =	stream.indirect_vreg.gather [hbm4b:s7+s1], $0x80, v3, vm1, $0x2000b8;
	[tilespmem:$0x18100] =	vst v63  }
0x92: {  	v3 =	vld [tilespmem:s22+$0x70];
	_ =	sdelay $0x4  }
0x93: {  	v63 =	vshrl.u32 v3, $0x3  }
0x94: {  	v4 =	vmul.u32 $0x18, v63  }
0x95: {  	v3 =	vand.u32 $0x7, v3  }
0x96: {  	v3 =	vor.u32 v3, v4  }
0x97: {  	v4 =	vperm.xlane v3, v0;
	_ =	sdelay $0x1  }
0x98: {  	v4 =	vadd.s32 v1, v4;
	_ =	sdelay $0x1  }
0x99: {  	v3 =	vperm.xlane v3, v2;
	_ =	sdelay $0x1  }
0x9a: {  	s29 =	sadd.s32 $0xA900, s21;
	v3 =	vadd.s32 v1, v3  }
0x9b: {  	[tilespmem:s29], [sflag:$0x5] =	stream.indirect_vreg.gather [hbm4b:s2+s1], $0x80, v4, vm0, $0x2000b8;
	[tilespmem:$0x18100] =	vst v63  }
0x9c: {  	s30 =	sadd.s32 $0xB100, s21  }
0x9d: {  	[tilespmem:s30], [sflag:$0x5] =	stream.indirect_vreg.gather [hbm4b:s7+s1], $0x80, v4, vm1, $0x2000b8;
	[tilespmem:$0x18100] =	vst v63  }
0x9e: {  	s31 =	sadd.s32 $0xB500, s21  }
0x9f: {  	[tilespmem:s31], [sflag:$0x5] =	stream.indirect_vreg.gather [hbm4b:s2+s1], $0x80, v3, vm0, $0x2000b8;
	[tilespmem:$0x18100] =	vst v63  }
0xa0: {  	s21 =	sadd.s32 $0xBD00, s21  }
0xa1: {  	[tilespmem:s21], [sflag:$0x5] =	stream.indirect_vreg.gather [hbm4b:s7+s1], $0x80, v3, vm1, $0x2000b8;
	[tilespmem:$0x18100] =	vst v63  }
0xa2: {  	_ =	swait.ge [sflag:s9], $0xC000  }
0xa3: {  	[sflag:s9] =	ssyncset.done $0x0  }
0xa4: {  	p2 =	seq.s32 s12, $0x1;
	[sflag:s9] =	ssyncadd.s32 $0xFFFF4000  }
0xa5: {  	s18 =	sadd.s32 s5, s18;
	p1 =	por p2, p1;
	_ =	strace $0x9000004B  }
0xa6: {  	s18 =	smul.u32 @p1 $0x1800, s18;
	s22 =	simm.s32 $0x1;
	_ =	strace @p1 $0x8000004C  }
0xa7: {  	s19 =	sadd.s32 @p1 $0x3, s19;
	s22 =	simm.s32 @!p0 $0x0;
	s21 =	rddreg [dreg:$0x2]  }
0xa8: {  	p0 =	seq.s32 s12, $0x10;
	s18 =	sadd.s32 @p1 s21, s18;
	s21 =	simm.s32 @p1 $0x0  }
0xa9: {  	[hbm4b:s18+s21] =	stream.linear.scatter @p1 [tilespmem:s20], [sflag:s19], $0xC000, $0x200038;
	[tilespmem:$0x18100] =	vst v63  }
0xaa: {  	s18 =	simm.s32 $0x1;
	s20 =	simm.s32 $0x1;
	_ =	strace @p1 $0x9000004C  }
0xab: {  	s18 =	simm.s32 @!p1 $0x0;
	p1 =	sne.s32 s12, $0x10;
	s12 =	sadd.s32 $0xFFFFFFFF, s12  }
0xac: {  	s19 =	sand.u32 @!p0 $0x1, s14;
	s20 =	simm.s32 @!p1 $0x0;
	p1 =	sne.s32 s12, $0x0  }
.Ltmp0:
0xad: {  	s19 =	sadd.s32 @!p0 $0x3, s19;
	_ =	strace @!p0 $0x8000004D;
	(pc) =	sbr.rel @p1 .LBB2_2-.Ltmp0, $4  }
0xae: {  	_ =	swait.ge @!p0 [sflag:s19], $0xC000  }
0xaf: {  	[sflag:s19] =	ssyncset.done @!p0 $0x0  }
0xb0: {  	s17 =	sadd.s32 s22, s17;
	s15 =	sadd.s32 s18, s15;
	[sflag:s19] =	ssyncadd.s32 @!p0 $0xFFFF4000  }
0xb1: {  	s16 =	sadd.s32 s18, s16;
	s14 =	sadd.s32 s20, s14;
	_ =	strace @!p0 $0x9000004D  }
0xb2: {  	s11 =	sadd.s32 $0x1, s11  }
0xb3: {  	p0 =	sne.s32 s11, s8  }
.Ltmp1:
0xb4: {  	_ =	strace $0x8000004E;
	(pc) =	sbr.rel @p0 .LBB2_1-.Ltmp1, $4  }
0xb5: {  	_ =	swait.ge [sflag:s10], $0xC000  }
0xb6: {  	[sflag:s10] =	ssyncset.done $0x0  }
0xb7: {  	[sflag:s10] =	ssyncadd.s32 $0xFFFF4000  }
0xb8: {  	_ =	strace $0x9000004E  }
0xb9: {  	_ =	sfence.sel $0x180000  }
0xba: {  	[bflag:$0x0] =	sbarrier.arrive $0xFFFF  }
0xbb: {  	p0 =	sne.s32 s3, $0x0;
	_ =	strace $0x90000047  }
0xbc: {  	s0 =	sadd.s32 @!p0 $0x100000, s0;
	[bflag:$0x2] =	sbarrier.arrive $0xFFFF  }
0xbd: {  	[sflag:s0] =	ssyncadd.tile.s32 @!p0 $0x1;
	_ =	shalt  }
.Lfunc_end2:
_tile_overlayer_lowered:
.L_overlay_start_2:
0xbe: {  	(tag) =	ssettag $0x2  }
0xbf: {  	s0 =	rddreg [dreg:$0x0];
	s2 =	stileid.u32  }
0xc0: {  	s1 =	rddreg [dreg:$0x1];
	p0 =	sne.s32 s2, $0x0  }
0xc1: {  	s3 =	rddreg [dreg:$0x2];
	[bflag:$0x3] =	sbarrier.arrive $0xFFFF;
	s2 =	simm.s32 @!p0 $0x1C01  }
0xc2: {  	[timem:s3], [sflag:s2] =	dma.local @!p0 [hbm:s0], s1  }
0xc3: {  	s0 =	simm.s32 @!p0 $0x1  }
0xc4: {  	_ =	swait.ge @!p0 [sflag:s0], s1  }
0xc5: {  	s1 =	ssub.s32 @!p0 $0x0, s1;
	[sflag:s0] =	ssyncset.done @!p0 $0x0  }
0xc6: {  	[sflag:s0] =	ssyncadd.s32 @!p0 s1  }
0xc7: {  	[bflag:$0x3] =	sbarrier.arrive $0xFFFF  }
0xc8: {  	_ =	shalt  }

// kernel: kernel.8.cloned.1.call-start
scs
__scs_entry_jumppad:
0x0: {  	(pc) =	sbr.rel $0x88, $3  }
0x1: {  	(tag) =	ssettag $0x0;
	lr =	simm.s32 $0x1  }
0x2: {  	[smem:$0x3F8C] =	sst lr;
	_ =	strace $0xD0000000  }
0x3: {  	_ = 	snop  }
0x4: {  	_ = 	snop  }
0x5: {  	_ = 	snop  }
0x6: {  	_ = 	snop  }
0x7: {  	_ = 	snop  }
__scs_overlays_trampoline_lowered:
0x8: {  	[smem:$0x3F9B] =	sst s0  }
0x9: {  	[smem:$0x3F9C] =	sst s1  }
0xa: {  	[smem:$0x3F9D] =	sst s2  }
0xb: {  	[smem:$0x3F9E] =	sst s3  }
0xc: {  	[smem:$0x3F9F] =	sst s4  }
0xd: {  	[smem:$0x3FA0] =	sst s5  }
0xe: {  	[smem:$0x3FA1] =	sst s6  }
0xf: {  	[smem:$0x3FA2] =	sst s7  }
0x10: {  	[smem:$0x3FA3] =	sst s8  }
0x11: {  	[smem:$0x3FA4] =	sst s9;
	s0 =	simm.s32 @!p0 $0x0  }
0x12: {  	s1 =	sld [smem:$0x3F8A];
	s0 =	simm.s32 @p0 $0x1  }
0x13: {  	[smem:$0x3FA5] =	sst s0;
	s0 =	simm.s32 @!p1 $0x0  }
0x14: {  	s2 =	sld [smem:$0x3F89];
	s0 =	simm.s32 @p1 $0x1  }
0x15: {  	[smem:$0x3FA6] =	sst s0;
	s0 =	simm.s32 @!p2 $0x0  }
0x16: {  	s3 =	sld [smem:$0x3FDB];
	s0 =	simm.s32 @p2 $0x1  }
0x17: {  	s4 =	simm.s32 $0x1BF5;
	[smem:$0x3FA8] =	sst s0  }
0x18: {  	s0 =	sld [smem:$0x3F8B];
	_ =	swait.ge [sflag:s4], $0x0  }
0x19: {  	s7 =	sld [smem:$0x3F8C]  }
0x1a: {  	s8 =	sadd.s32 $0xFFFFE003, lr  }
0x1b: {  	s9 =	sadd.s32 $0xFFFFFEF7, lr;
	s5 =	simm.s32 $0xFFFFFFFF;
	p2 =	slt.u32 s8, $0xFFFFF086  }
0x1c: {  	p1 =	slt.u32 s9, $0xF7A;
	s5 =	simm.s32 @!p2 $0x0  }
0x1d: {  	s5 =	simm.s32 @p1 $0x1;
	p0 =	seq.s32 s7, s2  }
0x1e: {  	s7 =	smul.u32 @!p0 $0xF7A, s2;
	p2 =	seq.s32 @!p0 s5, $0x0  }
0x1f: {  	s9 =	smul.u32 $0xF7A, s1;
	s8 =	simm.s32 @!p0 $0x1BF5;
	p2 =	por !p2, p0  }
0x20: {  	[sflag:s8] =	ssyncset.s32 @!p0 $0xFFFFF086;
	s6 =	sadd.s32 @!p0 s3, s7;
	s7 =	simm.s32 @!p0 $0x108  }
0x21: {  	s3 =	sadd.s32 s3, s9;
	s6 =	sadd.s32 @!p0 $0x88, s6;
	s7 =	simm.s32 @p2 $0x1082  }
0x22: {  	[simem:s7], [sflag:s8] =	dma.local @!p0 [hbm:s6], $0xF7A  }
0x23: {  	s9 =	sor.u32 $0xD0000000, s2;
	s6 =	simm.s32 $0x108;
	_ =	swait.ge @!p0 [sflag:s8], $0x0  }
0x24: {  	s3 =	sadd.s32 $0x88, s3;
	s6 =	simm.s32 @!p1 $0x1082;
	[sflag:s4] =	ssyncset.s32 $0xFFFFF086  }
0x25: {  	[simem:s6], [sflag:s4] =	dma.local [hbm:s3], $0xF7A  }
0x26: {  	[smem:$0x3F8C] =	sst s1;
	(tag) =	ssettag s2;
	_ =	strace s9  }
0x27: {  	s1 =	sld [smem:$0x3F9C]  }
0x28: {  	s2 =	sld [smem:$0x3F9D]  }
0x29: {  	s4 =	sld [smem:$0x3F9F]  }
0x2a: {  	p0 =	seq.s32 s5, $0x0;
	s5 =	sld [smem:$0x3FA0]  }
0x2b: {  	s6 =	sld [smem:$0x3FA1]  }
0x2c: {  	s7 =	sld [smem:$0x3FA2]  }
0x2d: {  	s3 =	simm.s32 $0x108;
	s8 =	sld [smem:$0x3FA3]  }
0x2e: {  	s3 =	simm.s32 @!p0 $0x1082;
	s9 =	sld [smem:$0x3FA4]  }
0x2f: {  	lr =	sadd.s32 s0, s3;
	s0 =	sld [smem:$0x3F9B]  }
0x30: {  	s3 =	sld [smem:$0x3F9E]  }
0x31: {  	[smem:$0x3FA7] =	sst s10  }
0x32: {  	s10 =	sld [smem:$0x3FA5];
	_ =	sdelay $0x3  }
0x33: {  	p0 =	seq.s32 s10, $0x1;
	s10 =	sld [smem:$0x3FA7];
	_ =	sdelay $0x3  }
0x34: {  	[smem:$0x3FA7] =	sst s10  }
0x35: {  	s10 =	sld [smem:$0x3FA6];
	_ =	sdelay $0x3  }
0x36: {  	p1 =	seq.s32 s10, $0x1;
	s10 =	sld [smem:$0x3FA7];
	_ =	sdelay $0x3  }
0x37: {  	[smem:$0x3FA7] =	sst s10  }
0x38: {  	s10 =	sld [smem:$0x3FA8]  }
0x39: {  	_ = 	snop;
	(pc) =	sbr.ind lr, $3  }
0x3a: {  	_ = 	snop  }
0x3b: {  	_ = 	snop  }
0x3c: {  	p2 =	seq.s32 s10, $0x1;
	s10 =	sld [smem:$0x3FA7]  }
0x3d: {  	_ =	shalt  }
0x3e: {  	_ =	shalt  }
0x3f: {  	_ =	shalt  }
0x40: {  	_ =	shalt  }
0x41: {  	_ =	shalt  }
0x42: {  	_ =	shalt  }
0x43: {  	_ =	shalt  }
0x44: {  	_ =	shalt  }
0x45: {  	_ =	shalt  }
0x46: {  	_ =	shalt  }
0x47: {  	_ =	shalt  }
0x48: {  	_ =	shalt  }
0x49: {  	_ =	shalt  }
0x4a: {  	_ =	shalt  }
0x4b: {  	_ =	shalt  }
0x4c: {  	_ =	shalt  }
0x4d: {  	_ =	shalt  }
0x4e: {  	_ =	shalt  }
0x4f: {  	_ =	shalt  }
0x50: {  	_ =	shalt  }
0x51: {  	_ =	shalt  }
0x52: {  	_ =	shalt  }
0x53: {  	_ =	shalt  }
0x54: {  	_ =	shalt  }
0x55: {  	_ =	shalt  }
0x56: {  	_ =	shalt  }
0x57: {  	_ =	shalt  }
0x58: {  	_ =	shalt  }
0x59: {  	_ =	shalt  }
0x5a: {  	_ =	shalt  }
0x5b: {  	_ =	shalt  }
0x5c: {  	_ =	shalt  }
0x5d: {  	_ =	shalt  }
0x5e: {  	_ =	shalt  }
0x5f: {  	_ =	shalt  }
0x60: {  	_ =	shalt  }
0x61: {  	_ =	shalt  }
0x62: {  	_ =	shalt  }
0x63: {  	_ =	shalt  }
0x64: {  	_ =	shalt  }
0x65: {  	_ =	shalt  }
0x66: {  	_ =	shalt  }
0x67: {  	_ =	shalt  }
0x68: {  	_ =	shalt  }
0x69: {  	_ =	shalt  }
0x6a: {  	_ =	shalt  }
0x6b: {  	_ =	shalt  }
0x6c: {  	_ =	shalt  }
0x6d: {  	_ =	shalt  }
0x6e: {  	_ =	shalt  }
0x6f: {  	_ =	shalt  }
0x70: {  	_ =	shalt  }
0x71: {  	_ =	shalt  }
0x72: {  	_ =	shalt  }
0x73: {  	_ =	shalt  }
0x74: {  	_ =	shalt  }
0x75: {  	_ =	shalt  }
0x76: {  	_ =	shalt  }
0x77: {  	_ =	shalt  }
0x78: {  	_ =	shalt  }
0x79: {  	_ =	shalt  }
0x7a: {  	_ =	shalt  }
0x7b: {  	_ =	shalt  }
0x7c: {  	_ =	shalt  }
0x7d: {  	_ =	shalt  }
0x7e: {  	_ =	shalt  }
0x7f: {  	_ =	shalt  }
0x80: {  	_ =	shalt  }
0x81: {  	_ =	shalt  }
0x82: {  	_ =	shalt  }
0x83: {  	_ =	shalt  }
0x84: {  	_ =	shalt  }
0x85: {  	_ =	shalt  }
0x86: {  	_ =	shalt  }
0x87: {  	_ =	shalt  }
.Lfunc_end0:
.L_simem_size_0:
called_computation_lowered:
.L_overlay_start_0:
0x88: {  	s2 =	sld [smem:$0x3FD9]  }
0x89: {  	s3 =	sld [smem:$0x3FFE];
	_ =	sdelay $0x1  }
0x8a: {  	s1 =	srdreg.scid  }
0x8b: {  	s0 =	sand.u32 $0x1, s1  }
0x8c: {  	s17 =	sshll.u32 s0, $0xA;
	s2 =	sadd.s32 s3, s2  }
0x8d: {  	s2 =	sadd.s32 s2, s17  }
0x8e: {  	[smem:$0x3FB3] =	sst s2  }
0x8f: {  	_ = 	snop  }
0x90: {  	(tm) =	ssettm $0x1  }
0x91: {  	s18 =	sld [smem:$0x3FFB];
	_ =	sdelay $0x3  }
0x92: {  	_ =	strace s18  }
0x93: {  	s2 =	sld [smem:$0x3FFC];
	_ =	sdelay $0x3  }
0x94: {  	_ =	strace s2  }
0x95: {  	s2 =	sld [smem:$0x3FFD];
	_ =	sdelay $0x3  }
0x96: {  	_ =	strace s2  }
0x97: {  	_ =	strace $0x8FFFFFFF  }
0x98: {  	s19 =	sld [smem:$0x3FDB];
	_ =	sdelay $0x1  }
0x99: {  	s20 =	simm.s32 $_scs_section_size  }
0x9a: {  	s4 =	simm.s32 $_size__tile_overlayer_lowered;
	s5 =	simm.s32 $_tile_overlayer_lowered  }
0x9b: {  	s6 =	simm.s32 $0x1BFF;
	s21 =	sshll.u32 s5, $0x1;
	s3 =	sadd.s32 s20, s19  }
0x9c: {  	s22 =	simm.s32 $0x0;
	s4 =	sshll.u32 s4, $0x1;
	s5 =	sadd.s32 s21, s3  }
0x9d: {  	[timem:s22], [sflag:s6] =	dma.local [hbm:s5], s4  }
0x9e: {  	_ =	swait.ge [sflag:s6], s4  }
0x9f: {  	s4 =	ssub.s32 $0x0, s4;
	[sflag:s6] =	ssyncset.done $0x0  }
0xa0: {  	[sflag:s6] =	ssyncadd.s32 s4;
	_ =	sdelay $0x1  }
0xa1: {  	s23 =	simm.s32 $0x1B8B  }
0xa2: {  	_ =	swait.ge [sflag:s23], $0x1  }
0xa3: {  	[sflag:s23] =	ssyncset.done $0x0  }
0xa4: {  	[sflag:s23] =	ssyncadd.s32 $0xFFFFFFFF  }
0xa5: {  	s4 =	sld [smem:$0x0]  }
0xa6: {  	s5 =	sand.u32 $0xFFFFFFFE, s1  }
0xa7: {  	p0 =	sne.s32 s1, s5  }
0xa8: {  	s5 =	sshll.u32 @p0 s5, $0xE  }
0xa9: {  	s5 =	sadd.s32 @p0 $0x11B8D, s5;
	s6 =	sshll.u32 @p0 s4, $0x11  }
0xaa: {  	s5 =	sor.u32 @p0 s6, s5  }
0xab: {  	[sflag:s5] =	ssyncadd.remote.s32 @p0 $0x1;
	_ =	sdelay $0x1  }
0xac: {  	s5 =	simm.s32 @p0 $0x1B8D  }
0xad: {  	_ =	swait.eq @p0 [sflag:s5], $0x1  }
0xae: {  	[sflag:s5] =	ssyncadd.s32 @p0 $0xFFFFFFFF  }
0xaf: {  	s6 =	sshll.u32 @!p0 s1, $0xE  }
0xb0: {  	s6 =	sor.u32 @!p0 $0x4000, s6;
	s5 =	simm.s32 @!p0 $0x1B8D  }
0xb1: {  	s4 =	sshll.u32 @!p0 s4, $0x11;
	s6 =	sadd.s32 @!p0 $0x11B8D, s6;
	_ =	swait.eq @!p0 [sflag:s5], $0x1  }
0xb2: {  	s4 =	sor.u32 @!p0 s4, s6;
	[sflag:s5] =	ssyncadd.s32 @!p0 $0xFFFFFFFF  }
0xb3: {  	s25 =	simm.s32 $0x1B8E;
	s24 =	sld [smem:$0x3FFE];
	[sflag:s4] =	ssyncadd.remote.s32 @!p0 $0x1  }
0xb4: {  	s26 =	simm.s32 $execute0_lowered;
	[smem:$0x3FD2] =	sst s25  }
0xb5: {  	s5 =	sshll.u32 s26, $0x1;
	_ =	strace $0x80000050;
	[dreg:$0x1] =	wrdreg $0xFFFFFFFF  }
0xb6: {  	s28 =	simm.s32 $_size_execute0_lowered;
	s3 =	sadd.s32 s3, s5;
	[dreg:$0x0] =	wrdreg $0x0  }
0xb7: {  	s5 =	sshll.u32 s28, $0x1;
	[dreg:$0x2] =	wrdreg s3  }
0xb8: {  	[dreg:$0x3] =	wrdreg s5  }
0xb9: {  	[dreg:$0x4] =	wrdreg $0xC0  }
0xba: {  	_ =	task [dreg:s22], $0x5FFFF  }
0xbb: {  	[dreg:$0x1] =	wrdreg $0xFFFFFFFF  }
0xbc: {  	[dreg:$0x0] =	wrdreg $0x60  }
0xbd: {  	[dreg:$0x2] =	wrdreg s24  }
0xbe: {  	[dreg:$0x3] =	wrdreg $0x9  }
0xbf: {  	_ =	task.clear_ibuf [dreg:s22], $0x4FFFF;
	_ =	strace $0x90000050  }
0xc0: {  	s29 =	simm.s32 $0x9;
	_ =	strace $0x80000059  }
0xc1: {  	_ =	swait.ge [sflag:s29], $0x1  }
0xc2: {  	[sflag:s29] =	ssyncadd.s32 $0xFFFFFFFF  }
0xc3: {  	_ =	strace $0x90000059  }
0xc4: {  	_ =	sfence  }
0xc5: {  	s30 =	sld [smem:$0x0];
	_ =	sdelay $0x2  }
0xc6: {  	s31 =	sshll.u32 s1, $0xD;
	s1 =	sshrl.u32 s1, $0x2  }
0xc7: {  	s4 =	sand.u32 $0x4000, s31;
	s1 =	sadd.s32 s1, s30  }
0xc8: {  	s0 =	sor.u32 s4, s0;
	s1 =	sshll.u32 s1, $0x11  }
0xc9: {  	s0 =	sor.u32 s1, s0  }
0xca: {  	s0 =	sadd.s32 $0x8F2B, s0  }
0xcb: {  	[sflag:s0] =	ssyncadd.remote.s32 $0x1  }
0xcc: {  	_ =	sfence.sel $0xFFFF  }
0xcd: {  	[dreg:$0x0] =	wrdreg $0xFFFFFFFF;
	(pc) =	sbr.abs _section_cstart, $3  }
0xce: {  	[dreg:$0x1] =	wrdreg $0xFFFFFFFF  }
0xcf: {  	_ =	task.clear_ibuf [dreg:s22], $0x2FFFF;
	_ =	strace $0x9FFFFFFF  }
0xd0: {  	(tm) =	ssettm $0x7FFFFFFF  }
0xd1: {  	_ =	shalt  }
tec
execute0_lowered:
.L_overlay_start_1:
0x0: {  	(tag) =	ssettag $0x1  }
0x1: {  	s7 =	rddreg [dreg:$0x0]  }
0x2: {  	s0 =	rddreg [dreg:$0x1];
	s1 =	simm.s32 $0x0;
	s3 =	srdreg.scid  }
0x3: {  	s9 =	simm.s32 $0x5;
	s10 =	simm.s32 $0x4;
	s11 =	simm.s32 $0x0  }
0x4: {  	[smem:$0x7FF] =	sst s1;
	s2 =	sadd.s32 $0x2D400, s7;
	s4 =	sadd.s32 $0x15400, s7  }
0x5: {  	s5 =	sadd.s32 $0x52D400, s7;
	s6 =	sand.u32 $0x1, s3;
	s3 =	stileid.u32  }
0x6: {  	_ =	strace $0x80000051;
	s8 =	ssub.s32 $0x2, s6;
	s6 =	sshll.u32 s6, $0x4  }
0x7: {  	v2 =	vlaneseq.u32;
	[dreg:$0x2] =	wrdreg s5;
	s31 =	sshrl.u32 s8, $0x1;
	s6 =	sor.u32 s3, s6  }
0x8: {  	vm0 =	vmmov $0xffff;
	vm1 =	vmmov $0xff;
	v1 =	vshrl.u32 v2, $0x3;
	s8 =	ssub.s32 s8, s31;
	s5 =	sshll.u32 s6, $0x4;
	s6 =	sshll.u32 s6, $0x8  }
0x9: {  	s7 =	sadd.s32 $0x2D500, s7;
	v0 =	vand.u32 $0x7, v2;
	v2 =	vor.u32 $0x8, v2;
	v1 =	vmul.u32 $0x8, v1;
	s6 =	sadd.s32 s4, s6;
	s8 =	smax.u32 s8, $0x1  }
.LBB2_1:
0xa: {  	_ =	strace $0x80000052;
	s12 =	simm.s32 $0x10  }
0xb: {  	s13 =	simm.s32 $0x0;
	s14 =	simm.s32 $0x0;
	s15 =	simm.s32 $0x0  }
0xc: {  	[tilespmem:s1], [sflag:$0x1] =	stream.linear.gather [hbm4b:s6+s1], $0x80, $0x200038;
	[tilespmem:$0x18100] =	vst v63  }
0xd: {  	s16 =	simm.s32 $0x0;
	s17 =	simm.s32 $0x1;
	_ =	strace $0x90000052  }
.LBB2_2:
0xe: {  	s18 =	smov.u32 s13;
	s13 =	sadd.s32 $0x1, s13  }
0xf: {  	p0 =	seq.s32 s13, $0x10  }
0x10: {  	s13 =	simm.s32 @p0 $0x0  }
0x11: {  	p6 =	sne.s32 s12, $0x1;
	p1 =	sne.s32 s18, s13  }
0x12: {  	p0 =	por !p6, !p1  }
0x13: {  	p0 =	por !p0, !p0  }
0x14: {  	s19 =	sadd.s32 @p0 s5, s13  }
0x15: {  	s20 =	sand.u32 @p0 $0x1, s17;
	s19 =	sshll.u32 @p0 s19, $0x4  }
0x16: {  	_ =	strace @p0 $0x80000053;
	s22 =	simm.s32 @p0 $0x0;
	s19 =	sand.u32 @p0 $0x1FFFFFF0, s19  }
0x17: {  	s21 =	sshll.u32 @p0 s20, $0x7;
	s20 =	sadd.s32 @p0 $0x1, s20;
	s19 =	sadd.s32 @p0 s4, s19  }
0x18: {  	[tilespmem:s21], [sflag:s20] =	stream.linear.gather @p0 [hbm4b:s19+s22], $0x80, $0x200038;
	[tilespmem:$0x18100] =	vst v63  }
0x19: {  	s28 =	sand.u32 $0x1, s16;
	_ =	strace @p0 $0x90000053  }
0x1a: {  	s19 =	sadd.s32 $0x1, s28;
	_ =	strace $0x80000054  }
0x1b: {  	_ =	swait.ge [sflag:s19], $0x80  }
0x1c: {  	[sflag:s19] =	ssyncset.done $0x0  }
0x1d: {  	[sflag:s19] =	ssyncadd.s32 $0xFFFFFF80  }
0x1e: {  	s29 =	sshll.u32 s16, $0x7;
	_ =	strace $0x90000054  }
0x1f: {  	s22 =	sand.u32 $0x80, s29;
	_ =	strace $0x80000055  }
0x20: {  	v3 =	vld [tilespmem:s22+$0x0];
	_ =	sdelay $0x4  }
0x21: {  	v4 =	vshrl.u32 v3, $0x3  }
0x22: {  	v4 =	vmul.u32 $0x18, v4  }
0x23: {  	v3 =	vand.u32 $0x7, v3  }
0x24: {  	v3 =	vor.u32 v3, v4  }
0x25: {  	v4 =	vperm.xlane v3, v0;
	_ =	sdelay $0x1  }
0x26: {  	s19 =	sand.u32 $0x1, s15;
	v4 =	vadd.s32 v1, v4  }
0x27: {  	s30 =	smul.u32 $0x30000, s19  }
0x28: {  	v3 =	vperm.xlane v3, v2  }
0x29: {  	s21 =	sshrl.u32 s30, $0x2  }
0x2a: {  	s20 =	sor.u32 $0x100, s21;
	v3 =	vadd.s32 v1, v3  }
0x2b: {  	[tilespmem:s20], [sflag:$0x5] =	stream.indirect_vreg.gather [hbm4b:s2+s1], $0x80, v4, vm0, $0x2000b8;
	[tilespmem:$0x18100] =	vst v63  }
0x2c: {  	s23 =	sor.u32 $0x900, s21  }
0x2d: {  	[tilespmem:s23], [sflag:$0x5] =	stream.indirect_vreg.gather [hbm4b:s7+s1], $0x80, v4, vm1, $0x2000b8;
	[tilespmem:$0x18100] =	vst v63  }
0x2e: {  	s31 =	sor.u32 $0xD00, s21  }
0x2f: {  	[tilespmem:s31], [sflag:$0x5] =	stream.indirect_vreg.gather [hbm4b:s2+s1], $0x80, v3, vm0, $0x2000b8;
	[tilespmem:$0x18100] =	vst v63  }
0x30: {  	s24 =	sor.u32 $0x1500, s21  }
0x31: {  	[tilespmem:s24], [sflag:$0x5] =	stream.indirect_vreg.gather [hbm4b:s7+s1], $0x80, v3, vm1, $0x2000b8;
	[tilespmem:$0x18100] =	vst v63  }
0x32: {  	v3 =	vld [tilespmem:s22+$0x10];
	_ =	sdelay $0x4  }
0x33: {  	v57 =	vshrl.u32 v3, $0x3  }
0x34: {  	v4 =	vmul.u32 $0x18, v57  }
0x35: {  	v3 =	vand.u32 $0x7, v3  }
0x36: {  	v3 =	vor.u32 v3, v4  }
0x37: {  	v4 =	vperm.xlane v3, v0;
	_ =	sdelay $0x1  }
0x38: {  	v4 =	vadd.s32 v1, v4;
	_ =	sdelay $0x1  }
0x39: {  	v3 =	vperm.xlane v3, v2;
	_ =	sdelay $0x1  }
0x3a: {  	s25 =	sor.u32 $0x1900, s21;
	v3 =	vadd.s32 v1, v3  }
0x3b: {  	[tilespmem:s25], [sflag:$0x5] =	stream.indirect_vreg.gather [hbm4b:s2+s1], $0x80, v4, vm0, $0x2000b8;
	[tilespmem:$0x18100] =	vst v63  }
0x3c: {  	s26 =	sor.u32 $0x2100, s21  }
0x3d: {  	[tilespmem:s26], [sflag:$0x5] =	stream.indirect_vreg.gather [hbm4b:s7+s1], $0x80, v4, vm1, $0x2000b8;
	[tilespmem:$0x18100] =	vst v63  }
0x3e: {  	s28 =	sor.u32 $0x2500, s21  }
0x3f: {  	[tilespmem:s28], [sflag:$0x5] =	stream.indirect_vreg.gather [hbm4b:s2+s1], $0x80, v3, vm0, $0x2000b8;
	[tilespmem:$0x18100] =	vst v63  }
0x40: {  	s29 =	sor.u32 $0x2D00, s21  }
0x41: {  	[tilespmem:s29], [sflag:$0x5] =	stream.indirect_vreg.gather [hbm4b:s7+s1], $0x80, v3, vm1, $0x2000b8;
	[tilespmem:$0x18100] =	vst v63  }
0x42: {  	v3 =	vld [tilespmem:s22+$0x20];
	_ =	sdelay $0x4  }
0x43: {  	v58 =	vshrl.u32 v3, $0x3  }
0x44: {  	v4 =	vmul.u32 $0x18, v58  }
0x45: {  	v3 =	vand.u32 $0x7, v3  }
0x46: {  	v3 =	vor.u32 v3, v4  }
0x47: {  	v4 =	vperm.xlane v3, v0;
	_ =	sdelay $0x1  }
0x48: {  	v4 =	vadd.s32 v1, v4;
	_ =	sdelay $0x1  }
0x49: {  	v3 =	vperm.xlane v3, v2;
	_ =	sdelay $0x1  }
0x4a: {  	s30 =	sor.u32 $0x3100, s21;
	v3 =	vadd.s32 v1, v3  }
0x4b: {  	[tilespmem:s30], [sflag:$0x5] =	stream.indirect_vreg.gather [hbm4b:s2+s1], $0x80, v4, vm0, $0x2000b8;
	[tilespmem:$0x18100] =	vst v63  }
0x4c: {  	s31 =	sor.u32 $0x3900, s21  }
0x4d: {  	[tilespmem:s31], [sflag:$0x5] =	stream.indirect_vreg.gather [hbm4b:s7+s1], $0x80, v4, vm1, $0x2000b8;
	[tilespmem:$0x18100] =	vst v63  }
0x4e: {  	s24 =	sor.u32 $0x3D00, s21  }
0x4f: {  	[tilespmem:s24], [sflag:$0x5] =	stream.indirect_vreg.gather [hbm4b:s2+s1], $0x80, v3, vm0, $0x2000b8;
	[tilespmem:$0x18100] =	vst v63  }
0x50: {  	s25 =	sadd.s32 $0x4500, s21  }
0x51: {  	[tilespmem:s25], [sflag:$0x5] =	stream.indirect_vreg.gather [hbm4b:s7+s1], $0x80, v3, vm1, $0x2000b8;
	[tilespmem:$0x18100] =	vst v63  }
0x52: {  	v3 =	vld [tilespmem:s22+$0x30];
	_ =	sdelay $0x4  }
0x53: {  	v59 =	vshrl.u32 v3, $0x3  }
0x54: {  	v4 =	vmul.u32 $0x18, v59  }
0x55: {  	v3 =	vand.u32 $0x7, v3  }
0x56: {  	v3 =	vor.u32 v3, v4  }
0x57: {  	v4 =	vperm.xlane v3, v0;
	_ =	sdelay $0x1  }
0x58: {  	v4 =	vadd.s32 v1, v4;
	_ =	sdelay $0x1  }
0x59: {  	v3 =	vperm.xlane v3, v2;
	_ =	sdelay $0x1  }
0x5a: {  	s26 =	sadd.s32 $0x4900, s21;
	v3 =	vadd.s32 v1, v3  }
0x5b: {  	[tilespmem:s26], [sflag:$0x5] =	stream.indirect_vreg.gather [hbm4b:s2+s1], $0x80, v4, vm0, $0x2000b8;
	[tilespmem:$0x18100] =	vst v63  }
0x5c: {  	s28 =	sadd.s32 $0x5100, s21  }
0x5d: {  	[tilespmem:s28], [sflag:$0x5] =	stream.indirect_vreg.gather [hbm4b:s7+s1], $0x80, v4, vm1, $0x2000b8;
	[tilespmem:$0x18100] =	vst v63  }
0x5e: {  	s29 =	sadd.s32 $0x5500, s21  }
0x5f: {  	[tilespmem:s29], [sflag:$0x5] =	stream.indirect_vreg.gather [hbm4b:s2+s1], $0x80, v3, vm0, $0x2000b8;
	[tilespmem:$0x18100] =	vst v63  }
0x60: {  	s30 =	sadd.s32 $0x5D00, s21  }
0x61: {  	[tilespmem:s30], [sflag:$0x5] =	stream.indirect_vreg.gather [hbm4b:s7+s1], $0x80, v3, vm1, $0x2000b8;
	[tilespmem:$0x18100] =	vst v63  }
0x62: {  	v3 =	vld [tilespmem:s22+$0x40];
	_ =	sdelay $0x4  }
0x63: {  	v60 =	vshrl.u32 v3, $0x3  }
0x64: {  	v4 =	vmul.u32 $0x18, v60  }
0x65: {  	v3 =	vand.u32 $0x7, v3  }
0x66: {  	v3 =	vor.u32 v3, v4  }
0x67: {  	v4 =	vperm.xlane v3, v0;
	_ =	sdelay $0x1  }
0x68: {  	v4 =	vadd.s32 v1, v4;
	_ =	sdelay $0x1  }
0x69: {  	v3 =	vperm.xlane v3, v2;
	_ =	sdelay $0x1  }
0x6a: {  	s31 =	sadd.s32 $0x6100, s21;
	v3 =	vadd.s32 v1, v3  }
0x6b: {  	[tilespmem:s31], [sflag:$0x5] =	stream.indirect_vreg.gather [hbm4b:s2+s1], $0x80, v4, vm0, $0x2000b8;
	[tilespmem:$0x18100] =	vst v63  }
0x6c: {  	s24 =	sadd.s32 $0x6900, s21  }
0x6d: {  	[tilespmem:s24], [sflag:$0x5] =	stream.indirect_vreg.gather [hbm4b:s7+s1], $0x80, v4, vm1, $0x2000b8;
	[tilespmem:$0x18100] =	vst v63  }
0x6e: {  	s25 =	sadd.s32 $0x6D00, s21  }
0x6f: {  	[tilespmem:s25], [sflag:$0x5] =	stream.indirect_vreg.gather [hbm4b:s2+s1], $0x80, v3, vm0, $0x2000b8;
	[tilespmem:$0x18100] =	vst v63  }
0x70: {  	s26 =	sadd.s32 $0x7500, s21  }
0x71: {  	[tilespmem:s26], [sflag:$0x5] =	stream.indirect_vreg.gather [hbm4b:s7+s1], $0x80, v3, vm1, $0x2000b8;
	[tilespmem:$0x18100] =	vst v63  }
0x72: {  	v3 =	vld [tilespmem:s22+$0x50];
	_ =	sdelay $0x4  }
0x73: {  	v61 =	vshrl.u32 v3, $0x3  }
0x74: {  	v4 =	vmul.u32 $0x18, v61  }
0x75: {  	v3 =	vand.u32 $0x7, v3  }
0x76: {  	v3 =	vor.u32 v3, v4  }
0x77: {  	v4 =	vperm.xlane v3, v0;
	_ =	sdelay $0x1  }
0x78: {  	v4 =	vadd.s32 v1, v4;
	_ =	sdelay $0x1  }
0x79: {  	v3 =	vperm.xlane v3, v2;
	_ =	sdelay $0x1  }
0x7a: {  	s28 =	sadd.s32 $0x7900, s21;
	v3 =	vadd.s32 v1, v3  }
0x7b: {  	[tilespmem:s28], [sflag:$0x5] =	stream.indirect_vreg.gather [hbm4b:s2+s1], $0x80, v4, vm0, $0x2000b8;
	[tilespmem:$0x18100] =	vst v63  }
0x7c: {  	s29 =	sadd.s32 $0x8100, s21  }
0x7d: {  	[tilespmem:s29], [sflag:$0x5] =	stream.indirect_vreg.gather [hbm4b:s7+s1], $0x80, v4, vm1, $0x2000b8;
	[tilespmem:$0x18100] =	vst v63  }
0x7e: {  	s30 =	sadd.s32 $0x8500, s21  }
0x7f: {  	[tilespmem:s30], [sflag:$0x5] =	stream.indirect_vreg.gather [hbm4b:s2+s1], $0x80, v3, vm0, $0x2000b8;
	[tilespmem:$0x18100] =	vst v63  }
0x80: {  	s31 =	sadd.s32 $0x8D00, s21  }
0x81: {  	[tilespmem:s31], [sflag:$0x5] =	stream.indirect_vreg.gather [hbm4b:s7+s1], $0x80, v3, vm1, $0x2000b8;
	[tilespmem:$0x18100] =	vst v63  }
0x82: {  	v3 =	vld [tilespmem:s22+$0x60];
	_ =	sdelay $0x4  }
0x83: {  	v62 =	vshrl.u32 v3, $0x3  }
0x84: {  	v4 =	vmul.u32 $0x18, v62  }
0x85: {  	v3 =	vand.u32 $0x7, v3  }
0x86: {  	v3 =	vor.u32 v3, v4  }
0x87: {  	v4 =	vperm.xlane v3, v0;
	_ =	sdelay $0x1  }
0x88: {  	v4 =	vadd.s32 v1, v4;
	_ =	sdelay $0x1  }
0x89: {  	v3 =	vperm.xlane v3, v2;
	_ =	sdelay $0x1  }
0x8a: {  	s24 =	sadd.s32 $0x9100, s21;
	v3 =	vadd.s32 v1, v3  }
0x8b: {  	[tilespmem:s24], [sflag:$0x5] =	stream.indirect_vreg.gather [hbm4b:s2+s1], $0x80, v4, vm0, $0x2000b8;
	[tilespmem:$0x18100] =	vst v63  }
0x8c: {  	s25 =	sadd.s32 $0x9900, s21  }
0x8d: {  	[tilespmem:s25], [sflag:$0x5] =	stream.indirect_vreg.gather [hbm4b:s7+s1], $0x80, v4, vm1, $0x2000b8;
	[tilespmem:$0x18100] =	vst v63  }
0x8e: {  	s26 =	sadd.s32 $0x9D00, s21  }
0x8f: {  	[tilespmem:s26], [sflag:$0x5] =	stream.indirect_vreg.gather [hbm4b:s2+s1], $0x80, v3, vm0, $0x2000b8;
	[tilespmem:$0x18100] =	vst v63  }
0x90: {  	s28 =	sadd.s32 $0xA500, s21  }
0x91: {  	[tilespmem:s28], [sflag:$0x5] =	stream.indirect_vreg.gather [hbm4b:s7+s1], $0x80, v3, vm1, $0x2000b8;
	[tilespmem:$0x18100] =	vst v63  }
0x92: {  	v3 =	vld [tilespmem:s22+$0x70];
	_ =	sdelay $0x4  }
0x93: {  	v63 =	vshrl.u32 v3, $0x3  }
0x94: {  	v4 =	vmul.u32 $0x18, v63  }
0x95: {  	v3 =	vand.u32 $0x7, v3  }
0x96: {  	v3 =	vor.u32 v3, v4  }
0x97: {  	v4 =	vperm.xlane v3, v0;
	_ =	sdelay $0x1  }
0x98: {  	v4 =	vadd.s32 v1, v4;
	_ =	sdelay $0x1  }
0x99: {  	v3 =	vperm.xlane v3, v2;
	_ =	sdelay $0x1  }
0x9a: {  	s29 =	sadd.s32 $0xA900, s21;
	v3 =	vadd.s32 v1, v3  }
0x9b: {  	[tilespmem:s29], [sflag:$0x5] =	stream.indirect_vreg.gather [hbm4b:s2+s1], $0x80, v4, vm0, $0x2000b8;
	[tilespmem:$0x18100] =	vst v63  }
0x9c: {  	s30 =	sadd.s32 $0xB100, s21  }
0x9d: {  	[tilespmem:s30], [sflag:$0x5] =	stream.indirect_vreg.gather [hbm4b:s7+s1], $0x80, v4, vm1, $0x2000b8;
	[tilespmem:$0x18100] =	vst v63  }
0x9e: {  	s31 =	sadd.s32 $0xB500, s21  }
0x9f: {  	[tilespmem:s31], [sflag:$0x5] =	stream.indirect_vreg.gather [hbm4b:s2+s1], $0x80, v3, vm0, $0x2000b8;
	[tilespmem:$0x18100] =	vst v63  }
0xa0: {  	s21 =	sadd.s32 $0xBD00, s21  }
0xa1: {  	[tilespmem:s21], [sflag:$0x5] =	stream.indirect_vreg.gather [hbm4b:s7+s1], $0x80, v3, vm1, $0x2000b8;
	[tilespmem:$0x18100] =	vst v63  }
0xa2: {  	_ =	swait.ge [sflag:s9], $0xC000  }
0xa3: {  	[sflag:s9] =	ssyncset.done $0x0  }
0xa4: {  	p2 =	seq.s32 s12, $0x1;
	[sflag:s9] =	ssyncadd.s32 $0xFFFF4000  }
0xa5: {  	s18 =	sadd.s32 s5, s18;
	p1 =	por p2, p1;
	_ =	strace $0x90000055  }
0xa6: {  	s18 =	smul.u32 @p1 $0x1800, s18;
	s22 =	simm.s32 $0x1;
	_ =	strace @p1 $0x80000056  }
0xa7: {  	s19 =	sadd.s32 @p1 $0x3, s19;
	s22 =	simm.s32 @!p0 $0x0;
	s21 =	rddreg [dreg:$0x2]  }
0xa8: {  	p0 =	seq.s32 s12, $0x10;
	s18 =	sadd.s32 @p1 s21, s18;
	s21 =	simm.s32 @p1 $0x0  }
0xa9: {  	[hbm4b:s18+s21] =	stream.linear.scatter @p1 [tilespmem:s20], [sflag:s19], $0xC000, $0x200038;
	[tilespmem:$0x18100] =	vst v63  }
0xaa: {  	s18 =	simm.s32 $0x1;
	s20 =	simm.s32 $0x1;
	_ =	strace @p1 $0x90000056  }
0xab: {  	s18 =	simm.s32 @!p1 $0x0;
	p1 =	sne.s32 s12, $0x10;
	s12 =	sadd.s32 $0xFFFFFFFF, s12  }
0xac: {  	s19 =	sand.u32 @!p0 $0x1, s14;
	s20 =	simm.s32 @!p1 $0x0;
	p1 =	sne.s32 s12, $0x0  }
.Ltmp0:
0xad: {  	s19 =	sadd.s32 @!p0 $0x3, s19;
	_ =	strace @!p0 $0x80000057;
	(pc) =	sbr.rel @p1 .LBB2_2-.Ltmp0, $4  }
0xae: {  	_ =	swait.ge @!p0 [sflag:s19], $0xC000  }
0xaf: {  	[sflag:s19] =	ssyncset.done @!p0 $0x0  }
0xb0: {  	s17 =	sadd.s32 s22, s17;
	s15 =	sadd.s32 s18, s15;
	[sflag:s19] =	ssyncadd.s32 @!p0 $0xFFFF4000  }
0xb1: {  	s16 =	sadd.s32 s18, s16;
	s14 =	sadd.s32 s20, s14;
	_ =	strace @!p0 $0x90000057  }
0xb2: {  	s11 =	sadd.s32 $0x1, s11  }
0xb3: {  	p0 =	sne.s32 s11, s8  }
.Ltmp1:
0xb4: {  	_ =	strace $0x80000058;
	(pc) =	sbr.rel @p0 .LBB2_1-.Ltmp1, $4  }
0xb5: {  	_ =	swait.ge [sflag:s10], $0xC000  }
0xb6: {  	[sflag:s10] =	ssyncset.done $0x0  }
0xb7: {  	[sflag:s10] =	ssyncadd.s32 $0xFFFF4000  }
0xb8: {  	_ =	strace $0x90000058  }
0xb9: {  	_ =	sfence.sel $0x180000  }
0xba: {  	[bflag:$0x0] =	sbarrier.arrive $0xFFFF  }
0xbb: {  	p0 =	sne.s32 s3, $0x0;
	_ =	strace $0x90000051  }
0xbc: {  	s0 =	sadd.s32 @!p0 $0x100000, s0;
	[bflag:$0x2] =	sbarrier.arrive $0xFFFF  }
0xbd: {  	[sflag:s0] =	ssyncadd.tile.s32 @!p0 $0x1;
	_ =	shalt  }
.Lfunc_end2:
_tile_overlayer_lowered:
.L_overlay_start_2:
0xbe: {  	(tag) =	ssettag $0x2  }
0xbf: {  	s0 =	rddreg [dreg:$0x0];
	s2 =	stileid.u32  }
0xc0: {  	s1 =	rddreg [dreg:$0x1];
	p0 =	sne.s32 s2, $0x0  }
0xc1: {  	s3 =	rddreg [dreg:$0x2];
	[bflag:$0x3] =	sbarrier.arrive $0xFFFF;
	s2 =	simm.s32 @!p0 $0x1C01  }
0xc2: {  	[timem:s3], [sflag:s2] =	dma.local @!p0 [hbm:s0], s1  }
0xc3: {  	s0 =	simm.s32 @!p0 $0x1  }
0xc4: {  	_ =	swait.ge @!p0 [sflag:s0], s1  }
0xc5: {  	s1 =	ssub.s32 @!p0 $0x0, s1;
	[sflag:s0] =	ssyncset.done @!p0 $0x0  }
0xc6: {  	[sflag:s0] =	ssyncadd.s32 @!p0 s1  }
0xc7: {  	[bflag:$0x3] =	sbarrier.arrive $0xFFFF  }
0xc8: {  	_ =	shalt  }

</sc_bundles>
